<compile_context>
chip_gen: v7x
topology: tpu7x:2x2x1
jax: 0.10.2.dev20260603
libtpu: 0.0.44.dev20260713+nightly
codegen_flags: <defaults>
</compile_context>

<pallas_src>
import functools

import jax
import jax.numpy as jnp
from jax import lax
from jax.experimental import pallas as pl
from jax.experimental.pallas import tpu as pltpu
from jax.experimental.pallas import tpu_sc as plsc

N_NODES = 10000
N_EDGES = 160000
D = 256
H = 128

NCORES = 2
NTILES = 16
CHUNK = 128
NCHUNK = 160
PER_TILE = CHUNK * NCHUNK
TOTAL = PER_TILE * NTILES
ROWS_PER_TILE = 632
ACC_ROWS = ROWS_PER_TILE * NTILES
DUMMY_ROW = N_NODES


def _sc_body(xl_hbm, xr_hbm, gidx_hbm, sidx_hbm, zeros_hbm,
             accl_hbm, accr_hbm,
             acc_sh, gbuf0, gbuf1, sbuf0, sbuf1, rows0, rows1,
             sem0, sem1, isem0, isem1):
    c = lax.axis_index("c")
    s = lax.axis_index("s")
    r0 = s * ROWS_PER_TILE
    last = NCHUNK - 1

    def run(x_hbm, out_hbm):
        def issue_idx(j, gbuf, sbuf, isem):
            pltpu.async_copy(gidx_hbm.at[s, j], gbuf, isem)
            pltpu.async_copy(sidx_hbm.at[s, j], sbuf, isem)

        def wait_idx(gbuf, sbuf, isem):
            pltpu.make_async_copy(gidx_hbm.at[s, 0], gbuf, isem).wait()
            pltpu.make_async_copy(sidx_hbm.at[s, 0], sbuf, isem).wait()

        pltpu.sync_copy(zeros_hbm.at[pl.ds(r0, ROWS_PER_TILE)],
                        acc_sh.at[pl.ds(r0, ROWS_PER_TILE)])
        plsc.subcore_barrier()

        issue_idx(0, gbuf0, sbuf0, isem0)
        wait_idx(gbuf0, sbuf0, isem0)
        pltpu.async_copy(x_hbm.at[gbuf0], rows0, sem0)
        issue_idx(1, gbuf1, sbuf1, isem1)

        def chunk_pair(k, carry):
            a = 2 * k
            wait_idx(gbuf1, sbuf1, isem1)
            pltpu.async_copy(x_hbm.at[gbuf1], rows1, sem1)
            pltpu.make_async_copy(x_hbm.at[gbuf0], rows0, sem0).wait()
            pltpu.sync_copy(rows0, acc_sh.at[sbuf0], add=True)
            issue_idx(jnp.minimum(a + 2, last), gbuf0, sbuf0, isem0)
            wait_idx(gbuf0, sbuf0, isem0)
            pltpu.async_copy(x_hbm.at[gbuf0], rows0, sem0)
            pltpu.make_async_copy(x_hbm.at[gbuf1], rows1, sem1).wait()
            pltpu.sync_copy(rows1, acc_sh.at[sbuf1], add=True)
            issue_idx(jnp.minimum(a + 3, last), gbuf1, sbuf1, isem1)
            return carry

        lax.fori_loop(0, NCHUNK // 2, chunk_pair, 0)
        pltpu.make_async_copy(x_hbm.at[gbuf0], rows0, sem0).wait()
        wait_idx(gbuf1, sbuf1, isem1)
        plsc.subcore_barrier()
        pltpu.sync_copy(acc_sh.at[pl.ds(r0, ROWS_PER_TILE)],
                        out_hbm.at[pl.ds(r0, ROWS_PER_TILE)])

    @pl.when(c == 0)
    def _():
        run(xl_hbm, accl_hbm)

    @pl.when(c == 1)
    def _():
        run(xr_hbm, accr_hbm)


@functools.partial(
    pl.kernel,
    out_type=(jax.ShapeDtypeStruct((ACC_ROWS, H), jnp.float32),
              jax.ShapeDtypeStruct((ACC_ROWS, H), jnp.float32)),
    mesh=plsc.VectorSubcoreMesh(core_axis_name="c", subcore_axis_name="s"),
    scratch_types=(
        [pltpu.VMEM_SHARED((ACC_ROWS, H), jnp.float32)]
        + [pltpu.VMEM((CHUNK,), jnp.int32)] * 4
        + [pltpu.VMEM((CHUNK, H), jnp.float32)] * 2
        + [pltpu.SemaphoreType.DMA] * 4
    ),
)
def _sc_scatter(*args):
    _sc_body(*args)


def _tc_self_body(x_ref, w0t_ref, b_ref, z_ref):
    z_ref[...] = (jnp.dot(x_ref[...], w0t_ref[...],
                          preferred_element_type=jnp.float32) + b_ref[...])


def _tc_combine_body(z_ref, al_ref, ar_ref, w1lt_ref, w1rt_ref, o_ref):
    acc = z_ref[...]
    acc += jnp.dot(al_ref[...], w1lt_ref[...], preferred_element_type=jnp.float32)
    acc += jnp.dot(ar_ref[...], w1rt_ref[...], preferred_element_type=jnp.float32)
    o_ref[...] = jnp.maximum(acc, 0.0)


_ROW_BLK = 400
_GRID = N_NODES // _ROW_BLK


def kernel(features, edges, W0, b0, W1, b1):
    x = features.astype(jnp.float32)
    src = edges[0].astype(jnp.int32)
    dst = edges[1].astype(jnp.int32)

    gidx = jnp.concatenate([src, dst])
    sidx = jnp.concatenate([dst, src])
    pad = TOTAL - 2 * N_EDGES
    gidx = jnp.concatenate([gidx, jnp.zeros((pad,), jnp.int32)])
    sidx = jnp.concatenate([sidx, jnp.full((pad,), DUMMY_ROW, jnp.int32)])
    gidx3 = gidx.reshape(NTILES, NCHUNK, CHUNK)
    sidx3 = sidx.reshape(NTILES, NCHUNK, CHUNK)

    xl = x[:, :H]
    xr = x[:, H:]
    zeros = jnp.zeros((ACC_ROWS, H), jnp.float32)

    accl, accr = _sc_scatter(xl, xr, gidx3, sidx3, zeros)

    w0t = W0.T
    w1lt = W1[:, :H].T
    w1rt = W1[:, H:].T
    bsum = (b0 + b1).reshape(1, D)

    z = pl.pallas_call(
        _tc_self_body,
        grid=(_GRID,),
        in_specs=[
            pl.BlockSpec((_ROW_BLK, D), lambda i: (i, 0)),
            pl.BlockSpec((D, D), lambda i: (0, 0)),
            pl.BlockSpec((1, D), lambda i: (0, 0)),
        ],
        out_specs=pl.BlockSpec((_ROW_BLK, D), lambda i: (i, 0)),
        out_shape=jax.ShapeDtypeStruct((N_NODES, D), jnp.float32),
    )(x, w0t, bsum)

    out = pl.pallas_call(
        _tc_combine_body,
        grid=(_GRID,),
        in_specs=[
            pl.BlockSpec((_ROW_BLK, D), lambda i: (i, 0)),
            pl.BlockSpec((_ROW_BLK, H), lambda i: (i, 0)),
            pl.BlockSpec((_ROW_BLK, H), lambda i: (i, 0)),
            pl.BlockSpec((H, D), lambda i: (0, 0)),
            pl.BlockSpec((H, D), lambda i: (0, 0)),
        ],
        out_specs=pl.BlockSpec((_ROW_BLK, D), lambda i: (i, 0)),
        out_shape=jax.ShapeDtypeStruct((N_NODES, D), jnp.float32),
    )(z, accl, accr, w1lt, w1rt)
    return out

# --- scband reference (transcript-rebuilt; emitter-appended) ---
"""Pipeline reference for scband-features2-features-simple-83330955477057 (READ-ONLY COPY).

The authoritative reference and input builder live on the scoring server;
editing this copy changes nothing except your own understanding.
"""

import jax, jax.numpy as jnp
import numpy as np

N_NODES = 10000
N_EDGES = 160000
D_IN = 256
D_OUT = 256


def setup_inputs(seed: int = 0) -> dict:
    key = jax.random.key(seed)
    k_x, k_e, k_w0, k_b0, k_w1, k_b1 = jax.random.split(key, 6)
    features = jax.random.normal(k_x, (N_NODES, D_IN), dtype=jnp.float32)
    edges = jax.random.randint(k_e, (2, N_EDGES), 0, N_NODES, dtype=jnp.int64)
    # GraphConv parameters (pytorch3d-style: w0 self-linear, w1 neighbor-linear)
    s0 = 1.0 / np.sqrt(D_IN)
    W0 = jax.random.uniform(k_w0, (D_OUT, D_IN), dtype=jnp.float32, minval=-s0, maxval=s0)
    b0 = jax.random.uniform(k_b0, (D_OUT,), dtype=jnp.float32, minval=-s0, maxval=s0)
    W1 = jax.random.uniform(k_w1, (D_OUT, D_IN), dtype=jnp.float32, minval=-s0, maxval=s0)
    b1 = jax.random.uniform(k_b1, (D_OUT,), dtype=jnp.float32, minval=-s0, maxval=s0)
    return {"features": features, "edges": edges, "W0": W0, "b0": b0, "W1": W1, "b1": b1}


def reference(features, edges, W0, b0, W1, b1):
    # GraphConv: out = w0(x) + w1(gather_scatter(x, edges))
    # gather_scatter: symmetric neighbor-sum over undirected edges
    src = edges[0]
    dst = edges[1]
    nbr = jnp.zeros_like(features)
    nbr = nbr.at[dst].add(features[src])
    nbr = nbr.at[src].add(features[dst])
    out = features @ W0.T + b0 + nbr @ W1.T + b1
    # bn is IdLayer (batch_norm=False), then ReLU
    return jax.nn.relu(out)

if __name__ == "__main__":
    import jax
    _d = setup_inputs()
    print(jax.jit(kernel)(*tuple(_d.values())))

</pallas_src>

<mosaic_0001>
#map = affine_map<(d0, d1) -> (0, 0)>
#map1 = affine_map<(d0, d1) -> (0, 0, 0)>
module attributes {stable_mosaic.version = 14 : i64} {
  func.func @_sc_scatter(%arg0: i32, %arg1: i32, %arg2: memref<10000x128xf32, #tpu.memory_space<hbm>>, %arg3: memref<10000x128xf32, #tpu.memory_space<hbm>>, %arg4: memref<16x160x128xi32, #tpu.memory_space<hbm>>, %arg5: memref<16x160x128xi32, #tpu.memory_space<hbm>>, %arg6: memref<10112x128xf32, #tpu.memory_space<hbm>>, %arg7: memref<10112x128xf32, #tpu.memory_space<hbm>>, %arg8: memref<10112x128xf32, #tpu.memory_space<hbm>>, %arg9: memref<10112x128xf32, #tpu.memory_space<vmem_shared>>, %arg10: memref<128xi32, #tpu.memory_space<vmem>>, %arg11: memref<128xi32, #tpu.memory_space<vmem>>, %arg12: memref<128xi32, #tpu.memory_space<vmem>>, %arg13: memref<128xi32, #tpu.memory_space<vmem>>, %arg14: memref<128x128xf32, #tpu.memory_space<vmem>>, %arg15: memref<128x128xf32, #tpu.memory_space<vmem>>, %arg16: memref<!tpu.dma_semaphore, #tpu.memory_space<semaphore_mem>>, %arg17: memref<!tpu.dma_semaphore, #tpu.memory_space<semaphore_mem>>, %arg18: memref<!tpu.dma_semaphore, #tpu.memory_space<semaphore_mem>>, %arg19: memref<!tpu.dma_semaphore, #tpu.memory_space<semaphore_mem>>) attributes {dimension_semantics = [#tpu.dimension_semantics<core_parallel>, #tpu.dimension_semantics<subcore_parallel>], iteration_bounds = array<i64: 2, 16>, scalar_prefetch = 0 : i64, scratch_operands = 11 : i64, tpu.core_type = #tpu.core_type<sc_vector_subcore>, window_params = [{transform_indices = #map}, {transform_indices = #map}, {transform_indices = #map1}, {transform_indices = #map1}, {transform_indices = #map}, {transform_indices = #map}, {transform_indices = #map}]} {
    %mul3A = arith.constant 632 : i32
    %mul3A_0 = arith.muli %arg1, %mul3A : i32
    %eq3A = arith.constant 0 : i32
    %eq3A_1 = arith.cmpi eq, %arg0, %eq3A : i32
    %convert_element_type3A = arith.extui %eq3A_1 : i1 to i32
    %cond3A = arith.constant 0 : i32
    %cond3A_2 = arith.cmpi ne, %convert_element_type3A, %cond3A : i32
    scf.if %cond3A_2 {
      "tpu.region"() ({
        %run_scoped3A = tpu.sem_alloc : memref<!tpu.dma_semaphore, #tpu.memory_space<semaphore_mem>>
        %dma_start3A_74 = arith.constant 0 : i32
        %dma_start3A_75 = tpu.memref_slice %arg9[%mul3A_0, %dma_start3A_74] : memref<10112x128xf32, #tpu.memory_space<vmem_shared>> -> memref<632x128xf32, #tpu.memory_space<vmem_shared>>
        %dma_start3A_76 = arith.constant 0 : i32
        %dma_start3A_77 = tpu.memref_slice %arg6[%mul3A_0, %dma_start3A_76] : memref<10112x128xf32, #tpu.memory_space<hbm>> -> memref<632x128xf32, #tpu.memory_space<hbm>>
        tpu.enqueue_dma source(%dma_start3A_77 : memref<632x128xf32, #tpu.memory_space<hbm>>) target(%dma_start3A_75 : memref<632x128xf32, #tpu.memory_space<vmem_shared>>) target_semaphore(%run_scoped3A : memref<!tpu.dma_semaphore, #tpu.memory_space<semaphore_mem>>)
        %dma_wait3A_78 = arith.constant 0 : i32
        %dma_wait3A_79 = tpu.memref_slice %arg9[%mul3A_0, %dma_wait3A_78] : memref<10112x128xf32, #tpu.memory_space<vmem_shared>> -> memref<632x128xf32, #tpu.memory_space<vmem_shared>>
        %dma_wait3A_80 = arith.constant 0 : i32
        %dma_wait3A_81 = tpu.memref_slice %arg6[%mul3A_0, %dma_wait3A_80] : memref<10112x128xf32, #tpu.memory_space<hbm>> -> memref<632x128xf32, #tpu.memory_space<hbm>>
        tpu.wait_dma2 semaphore(%run_scoped3A : memref<!tpu.dma_semaphore, #tpu.memory_space<semaphore_mem>>) src(%dma_wait3A_81 : memref<632x128xf32, #tpu.memory_space<hbm>>) dst(%dma_wait3A_79 : memref<632x128xf32, #tpu.memory_space<vmem_shared>>)
        tpu.yield
      }) : () -> ()
      %barrier3A = arith.constant 0 : index
      tpu.barrier barrier_id(%barrier3A)
      %dma_start3A = arith.constant 0 : i32
      %dma_start3A_8 = arith.constant 0 : i32
      %dma_start3A_9 = tpu.memref_slice %arg4[%arg1, %dma_start3A, %dma_start3A_8] : memref<16x160x128xi32, #tpu.memory_space<hbm>> -> memref<1x1x128xi32, #tpu.memory_space<hbm>>
      %dma_start3A_10 = tpu.memref_squeeze %dma_start3A_9 : memref<1x1x128xi32, #tpu.memory_space<hbm>> -> memref<128xi32, #tpu.memory_space<hbm>>
      %dma_start3A_11 = arith.constant 0 : i32
      %dma_start3A_12 = tpu.memref_slice %arg4[%arg1, %dma_start3A, %dma_start3A_11] : memref<16x160x128xi32, #tpu.memory_space<hbm>> -> memref<1x1x128xi32, #tpu.memory_space<hbm>>
      %dma_start3A_13 = tpu.memref_squeeze %dma_start3A_12 : memref<1x1x128xi32, #tpu.memory_space<hbm>> -> memref<128xi32, #tpu.memory_space<hbm>>
      tpu.enqueue_dma source(%dma_start3A_13 : memref<128xi32, #tpu.memory_space<hbm>>) target(%arg10 : memref<128xi32, #tpu.memory_space<vmem>>) target_semaphore(%arg18 : memref<!tpu.dma_semaphore, #tpu.memory_space<semaphore_mem>>)
      %dma_start3A_14 = arith.constant 0 : i32
      %dma_start3A_15 = arith.constant 0 : i32
      %dma_start3A_16 = tpu.memref_slice %arg5[%arg1, %dma_start3A_14, %dma_start3A_15] : memref<16x160x128xi32, #tpu.memory_space<hbm>> -> memref<1x1x128xi32, #tpu.memory_space<hbm>>
      %dma_start3A_17 = tpu.memref_squeeze %dma_start3A_16 : memref<1x1x128xi32, #tpu.memory_space<hbm>> -> memref<128xi32, #tpu.memory_space<hbm>>
      %dma_start3A_18 = arith.constant 0 : i32
      %dma_start3A_19 = tpu.memref_slice %arg5[%arg1, %dma_start3A_14, %dma_start3A_18] : memref<16x160x128xi32, #tpu.memory_space<hbm>> -> memref<1x1x128xi32, #tpu.memory_space<hbm>>
      %dma_start3A_20 = tpu.memref_squeeze %dma_start3A_19 : memref<1x1x128xi32, #tpu.memory_space<hbm>> -> memref<128xi32, #tpu.memory_space<hbm>>
      tpu.enqueue_dma source(%dma_start3A_20 : memref<128xi32, #tpu.memory_space<hbm>>) target(%arg12 : memref<128xi32, #tpu.memory_space<vmem>>) target_semaphore(%arg18 : memref<!tpu.dma_semaphore, #tpu.memory_space<semaphore_mem>>)
      %dma_wait3A = arith.constant 0 : i32
      %dma_wait3A_21 = arith.constant 0 : i32
      %dma_wait3A_22 = tpu.memref_slice %arg4[%arg1, %dma_wait3A, %dma_wait3A_21] : memref<16x160x128xi32, #tpu.memory_space<hbm>> -> memref<1x1x128xi32, #tpu.memory_space<hbm>>
      %dma_wait3A_23 = tpu.memref_squeeze %dma_wait3A_22 : memref<1x1x128xi32, #tpu.memory_space<hbm>> -> memref<128xi32, #tpu.memory_space<hbm>>
      %dma_wait3A_24 = arith.constant 0 : i32
      %dma_wait3A_25 = tpu.memref_slice %arg4[%arg1, %dma_wait3A, %dma_wait3A_24] : memref<16x160x128xi32, #tpu.memory_space<hbm>> -> memref<1x1x128xi32, #tpu.memory_space<hbm>>
      %dma_wait3A_26 = tpu.memref_squeeze %dma_wait3A_25 : memref<1x1x128xi32, #tpu.memory_space<hbm>> -> memref<128xi32, #tpu.memory_space<hbm>>
      tpu.wait_dma2 semaphore(%arg18 : memref<!tpu.dma_semaphore, #tpu.memory_space<semaphore_mem>>) src(%dma_wait3A_26 : memref<128xi32, #tpu.memory_space<hbm>>) dst(%arg10 : memref<128xi32, #tpu.memory_space<vmem>>)
      %dma_wait3A_27 = arith.constant 0 : i32
      %dma_wait3A_28 = arith.constant 0 : i32
      %dma_wait3A_29 = tpu.memref_slice %arg5[%arg1, %dma_wait3A_27, %dma_wait3A_28] : memref<16x160x128xi32, #tpu.memory_space<hbm>> -> memref<1x1x128xi32, #tpu.memory_space<hbm>>
      %dma_wait3A_30 = tpu.memref_squeeze %dma_wait3A_29 : memref<1x1x128xi32, #tpu.memory_space<hbm>> -> memref<128xi32, #tpu.memory_space<hbm>>
      %dma_wait3A_31 = arith.constant 0 : i32
      %dma_wait3A_32 = tpu.memref_slice %arg5[%arg1, %dma_wait3A_27, %dma_wait3A_31] : memref<16x160x128xi32, #tpu.memory_space<hbm>> -> memref<1x1x128xi32, #tpu.memory_space<hbm>>
      %dma_wait3A_33 = tpu.memref_squeeze %dma_wait3A_32 : memref<1x1x128xi32, #tpu.memory_space<hbm>> -> memref<128xi32, #tpu.memory_space<hbm>>
      tpu.wait_dma2 semaphore(%arg18 : memref<!tpu.dma_semaphore, #tpu.memory_space<semaphore_mem>>) src(%dma_wait3A_33 : memref<128xi32, #tpu.memory_space<hbm>>) dst(%arg12 : memref<128xi32, #tpu.memory_space<vmem>>)
      %dma_start3A_34 = arith.constant 0 : i32
      %dma_start3A_35 = arith.constant 0 : i32
      %dma_start3A_36 = tpu.memref_slice %arg2[%dma_start3A_34, %dma_start3A_35] : memref<10000x128xf32, #tpu.memory_space<hbm>> -> memref<10000x128xf32, #tpu.memory_space<hbm>>
      tpu.enqueue_indirect_dma source(%dma_start3A_36 : memref<10000x128xf32, #tpu.memory_space<hbm>>) target(%arg14 : memref<128x128xf32, #tpu.memory_space<vmem>>) offsets(%arg10 : memref<128xi32, #tpu.memory_space<vmem>>) semaphore(%arg16 : memref<!tpu.dma_semaphore, #tpu.memory_space<semaphore_mem>>)
      %dma_start3A_37 = arith.constant 1 : i32
      %dma_start3A_38 = arith.constant 0 : i32
      %dma_start3A_39 = tpu.memref_slice %arg4[%arg1, %dma_start3A_37, %dma_start3A_38] : memref<16x160x128xi32, #tpu.memory_space<hbm>> -> memref<1x1x128xi32, #tpu.memory_space<hbm>>
      %dma_start3A_40 = tpu.memref_squeeze %dma_start3A_39 : memref<1x1x128xi32, #tpu.memory_space<hbm>> -> memref<128xi32, #tpu.memory_space<hbm>>
      %dma_start3A_41 = arith.constant 0 : i32
      %dma_start3A_42 = tpu.memref_slice %arg4[%arg1, %dma_start3A_37, %dma_start3A_41] : memref<16x160x128xi32, #tpu.memory_space<hbm>> -> memref<1x1x128xi32, #tpu.memory_space<hbm>>
      %dma_start3A_43 = tpu.memref_squeeze %dma_start3A_42 : memref<1x1x128xi32, #tpu.memory_space<hbm>> -> memref<128xi32, #tpu.memory_space<hbm>>
      tpu.enqueue_dma source(%dma_start3A_43 : memref<128xi32, #tpu.memory_space<hbm>>) target(%arg11 : memref<128xi32, #tpu.memory_space<vmem>>) target_semaphore(%arg19 : memref<!tpu.dma_semaphore, #tpu.memory_space<semaphore_mem>>)
      %dma_start3A_44 = arith.constant 1 : i32
      %dma_start3A_45 = arith.constant 0 : i32
      %dma_start3A_46 = tpu.memref_slice %arg5[%arg1, %dma_start3A_44, %dma_start3A_45] : memref<16x160x128xi32, #tpu.memory_space<hbm>> -> memref<1x1x128xi32, #tpu.memory_space<hbm>>
      %dma_start3A_47 = tpu.memref_squeeze %dma_start3A_46 : memref<1x1x128xi32, #tpu.memory_space<hbm>> -> memref<128xi32, #tpu.memory_space<hbm>>
      %dma_start3A_48 = arith.constant 0 : i32
      %dma_start3A_49 = tpu.memref_slice %arg5[%arg1, %dma_start3A_44, %dma_start3A_48] : memref<16x160x128xi32, #tpu.memory_space<hbm>> -> memref<1x1x128xi32, #tpu.memory_space<hbm>>
      %dma_start3A_50 = tpu.memref_squeeze %dma_start3A_49 : memref<1x1x128xi32, #tpu.memory_space<hbm>> -> memref<128xi32, #tpu.memory_space<hbm>>
      tpu.enqueue_dma source(%dma_start3A_50 : memref<128xi32, #tpu.memory_space<hbm>>) target(%arg13 : memref<128xi32, #tpu.memory_space<vmem>>) target_semaphore(%arg19 : memref<!tpu.dma_semaphore, #tpu.memory_space<semaphore_mem>>)
      %scan3A = arith.constant 0 : i32
      %scan3A_51 = arith.constant 0 : i32
      %scan3A_52 = arith.constant 80 : i32
      %scan3A_53 = arith.addi %scan3A_51, %scan3A_52 : i32
      %scan3A_54 = arith.constant 1 : i32
      scf.for %scan3A_74 = %scan3A_51 to %scan3A_53 step %scan3A_54  : i32 {
        %mul3A_75 = arith.constant 2 : i32
        %mul3A_76 = arith.muli %mul3A_75, %scan3A_74 : i32
        %dma_wait3A_77 = arith.constant 0 : i32
        %dma_wait3A_78 = arith.constant 0 : i32
        %dma_wait3A_79 = tpu.memref_slice %arg4[%arg1, %dma_wait3A_77, %dma_wait3A_78] : memref<16x160x128xi32, #tpu.memory_space<hbm>> -> memref<1x1x128xi32, #tpu.memory_space<hbm>>
        %dma_wait3A_80 = tpu.memref_squeeze %dma_wait3A_79 : memref<1x1x128xi32, #tpu.memory_space<hbm>> -> memref<128xi32, #tpu.memory_space<hbm>>
        %dma_wait3A_81 = arith.constant 0 : i32
        %dma_wait3A_82 = tpu.memref_slice %arg4[%arg1, %dma_wait3A_77, %dma_wait3A_81] : memref<16x160x128xi32, #tpu.memory_space<hbm>> -> memref<1x1x128xi32, #tpu.memory_space<hbm>>
        %dma_wait3A_83 = tpu.memref_squeeze %dma_wait3A_82 : memref<1x1x128xi32, #tpu.memory_space<hbm>> -> memref<128xi32, #tpu.memory_space<hbm>>
        tpu.wait_dma2 semaphore(%arg19 : memref<!tpu.dma_semaphore, #tpu.memory_space<semaphore_mem>>) src(%dma_wait3A_83 : memref<128xi32, #tpu.memory_space<hbm>>) dst(%arg11 : memref<128xi32, #tpu.memory_space<vmem>>)
        %dma_wait3A_84 = arith.constant 0 : i32
        %dma_wait3A_85 = arith.constant 0 : i32
        %dma_wait3A_86 = tpu.memref_slice %arg5[%arg1, %dma_wait3A_84, %dma_wait3A_85] : memref<16x160x128xi32, #tpu.memory_space<hbm>> -> memref<1x1x128xi32, #tpu.memory_space<hbm>>
        %dma_wait3A_87 = tpu.memref_squeeze %dma_wait3A_86 : memref<1x1x128xi32, #tpu.memory_space<hbm>> -> memref<128xi32, #tpu.memory_space<hbm>>
        %dma_wait3A_88 = arith.constant 0 : i32
        %dma_wait3A_89 = tpu.memref_slice %arg5[%arg1, %dma_wait3A_84, %dma_wait3A_88] : memref<16x160x128xi32, #tpu.memory_space<hbm>> -> memref<1x1x128xi32, #tpu.memory_space<hbm>>
        %dma_wait3A_90 = tpu.memref_squeeze %dma_wait3A_89 : memref<1x1x128xi32, #tpu.memory_space<hbm>> -> memref<128xi32, #tpu.memory_space<hbm>>
        tpu.wait_dma2 semaphore(%arg19 : memref<!tpu.dma_semaphore, #tpu.memory_space<semaphore_mem>>) src(%dma_wait3A_90 : memref<128xi32, #tpu.memory_space<hbm>>) dst(%arg13 : memref<128xi32, #tpu.memory_space<vmem>>)
        %dma_start3A_91 = arith.constant 0 : i32
        %dma_start3A_92 = arith.constant 0 : i32
        %dma_start3A_93 = tpu.memref_slice %arg2[%dma_start3A_91, %dma_start3A_92] : memref<10000x128xf32, #tpu.memory_space<hbm>> -> memref<10000x128xf32, #tpu.memory_space<hbm>>
        tpu.enqueue_indirect_dma source(%dma_start3A_93 : memref<10000x128xf32, #tpu.memory_space<hbm>>) target(%arg15 : memref<128x128xf32, #tpu.memory_space<vmem>>) offsets(%arg11 : memref<128xi32, #tpu.memory_space<vmem>>) semaphore(%arg17 : memref<!tpu.dma_semaphore, #tpu.memory_space<semaphore_mem>>)
        %dma_wait3A_94 = arith.constant 0 : i32
        %dma_wait3A_95 = arith.constant 0 : i32
        %dma_wait3A_96 = tpu.memref_slice %arg2[%dma_wait3A_94, %dma_wait3A_95] : memref<10000x128xf32, #tpu.memory_space<hbm>> -> memref<10000x128xf32, #tpu.memory_space<hbm>>
        tpu.wait_indirect_dma semaphore(%arg16 : memref<!tpu.dma_semaphore, #tpu.memory_space<semaphore_mem>>) src(%dma_wait3A_96 : memref<10000x128xf32, #tpu.memory_space<hbm>>) dst(%arg14 : memref<128x128xf32, #tpu.memory_space<vmem>>)
        "tpu.region"() ({
          %run_scoped3A = tpu.sem_alloc : memref<!tpu.dma_semaphore, #tpu.memory_space<semaphore_mem>>
          %dma_start3A_147 = arith.constant 0 : i32
          %dma_start3A_148 = arith.constant 0 : i32
          %dma_start3A_149 = tpu.memref_slice %arg9[%dma_start3A_147, %dma_start3A_148] : memref<10112x128xf32, #tpu.memory_space<vmem_shared>> -> memref<10112x128xf32, #tpu.memory_space<vmem_shared>>
          tpu.enqueue_indirect_dma source(%arg14 : memref<128x128xf32, #tpu.memory_space<vmem>>) target(%dma_start3A_149 : memref<10112x128xf32, #tpu.memory_space<vmem_shared>>) offsets(%arg12 : memref<128xi32, #tpu.memory_space<vmem>>) semaphore(%run_scoped3A : memref<!tpu.dma_semaphore, #tpu.memory_space<semaphore_mem>>) {add = true}
          %dma_wait3A_150 = arith.constant 0 : i32
          %dma_wait3A_151 = arith.constant 0 : i32
          %dma_wait3A_152 = tpu.memref_slice %arg9[%dma_wait3A_150, %dma_wait3A_151] : memref<10112x128xf32, #tpu.memory_space<vmem_shared>> -> memref<10112x128xf32, #tpu.memory_space<vmem_shared>>
          tpu.wait_indirect_dma semaphore(%run_scoped3A : memref<!tpu.dma_semaphore, #tpu.memory_space<semaphore_mem>>) src(%arg14 : memref<128x128xf32, #tpu.memory_space<vmem>>) dst(%dma_wait3A_152 : memref<10112x128xf32, #tpu.memory_space<vmem_shared>>)
          tpu.yield
        }) : () -> ()
        %add3A = arith.constant 2 : i32
        %add3A_97 = arith.addi %mul3A_76, %add3A : i32
        %min3A = arith.constant 159 : i32
        %min3A_98 = arith.minsi %add3A_97, %min3A : i32
        %dma_start3A_99 = arith.constant 0 : i32
        %dma_start3A_100 = tpu.memref_slice %arg4[%arg1, %min3A_98, %dma_start3A_99] : memref<16x160x128xi32, #tpu.memory_space<hbm>> -> memref<1x1x128xi32, #tpu.memory_space<hbm>>
        %dma_start3A_101 = tpu.memref_squeeze %dma_start3A_100 : memref<1x1x128xi32, #tpu.memory_space<hbm>> -> memref<128xi32, #tpu.memory_space<hbm>>
        %dma_start3A_102 = arith.constant 0 : i32
        %dma_start3A_103 = tpu.memref_slice %arg4[%arg1, %min3A_98, %dma_start3A_102] : memref<16x160x128xi32, #tpu.memory_space<hbm>> -> memref<1x1x128xi32, #tpu.memory_space<hbm>>
        %dma_start3A_104 = tpu.memref_squeeze %dma_start3A_103 : memref<1x1x128xi32, #tpu.memory_space<hbm>> -> memref<128xi32, #tpu.memory_space<hbm>>
        tpu.enqueue_dma source(%dma_start3A_104 : memref<128xi32, #tpu.memory_space<hbm>>) target(%arg10 : memref<128xi32, #tpu.memory_space<vmem>>) target_semaphore(%arg18 : memref<!tpu.dma_semaphore, #tpu.memory_space<semaphore_mem>>)
        %dma_start3A_105 = arith.constant 0 : i32
        %dma_start3A_106 = tpu.memref_slice %arg5[%arg1, %min3A_98, %dma_start3A_105] : memref<16x160x128xi32, #tpu.memory_space<hbm>> -> memref<1x1x128xi32, #tpu.memory_space<hbm>>
        %dma_start3A_107 = tpu.memref_squeeze %dma_start3A_106 : memref<1x1x128xi32, #tpu.memory_space<hbm>> -> memref<128xi32, #tpu.memory_space<hbm>>
        %dma_start3A_108 = arith.constant 0 : i32
        %dma_start3A_109 = tpu.memref_slice %arg5[%arg1, %min3A_98, %dma_start3A_108] : memref<16x160x128xi32, #tpu.memory_space<hbm>> -> memref<1x1x128xi32, #tpu.memory_space<hbm>>
        %dma_start3A_110 = tpu.memref_squeeze %dma_start3A_109 : memref<1x1x128xi32, #tpu.memory_space<hbm>> -> memref<128xi32, #tpu.memory_space<hbm>>
        tpu.enqueue_dma source(%dma_start3A_110 : memref<128xi32, #tpu.memory_space<hbm>>) target(%arg12 : memref<128xi32, #tpu.memory_space<vmem>>) target_semaphore(%arg18 : memref<!tpu.dma_semaphore, #tpu.memory_space<semaphore_mem>>)
        %dma_wait3A_111 = arith.constant 0 : i32
        %dma_wait3A_112 = arith.constant 0 : i32
        %dma_wait3A_113 = tpu.memref_slice %arg4[%arg1, %dma_wait3A_111, %dma_wait3A_112] : memref<16x160x128xi32, #tpu.memory_space<hbm>> -> memref<1x1x128xi32, #tpu.memory_space<hbm>>
        %dma_wait3A_114 = tpu.memref_squeeze %dma_wait3A_113 : memref<1x1x128xi32, #tpu.memory_space<hbm>> -> memref<128xi32, #tpu.memory_space<hbm>>
        %dma_wait3A_115 = arith.constant 0 : i32
        %dma_wait3A_116 = tpu.memref_slice %arg4[%arg1, %dma_wait3A_111, %dma_wait3A_115] : memref<16x160x128xi32, #tpu.memory_space<hbm>> -> memref<1x1x128xi32, #tpu.memory_space<hbm>>
        %dma_wait3A_117 = tpu.memref_squeeze %dma_wait3A_116 : memref<1x1x128xi32, #tpu.memory_space<hbm>> -> memref<128xi32, #tpu.memory_space<hbm>>
        tpu.wait_dma2 semaphore(%arg18 : memref<!tpu.dma_semaphore, #tpu.memory_space<semaphore_mem>>) src(%dma_wait3A_117 : memref<128xi32, #tpu.memory_space<hbm>>) dst(%arg10 : memref<128xi32, #tpu.memory_space<vmem>>)
        %dma_wait3A_118 = arith.constant 0 : i32
        %dma_wait3A_119 = arith.constant 0 : i32
        %dma_wait3A_120 = tpu.memref_slice %arg5[%arg1, %dma_wait3A_118, %dma_wait3A_119] : memref<16x160x128xi32, #tpu.memory_space<hbm>> -> memref<1x1x128xi32, #tpu.memory_space<hbm>>
        %dma_wait3A_121 = tpu.memref_squeeze %dma_wait3A_120 : memref<1x1x128xi32, #tpu.memory_space<hbm>> -> memref<128xi32, #tpu.memory_space<hbm>>
        %dma_wait3A_122 = arith.constant 0 : i32
        %dma_wait3A_123 = tpu.memref_slice %arg5[%arg1, %dma_wait3A_118, %dma_wait3A_122] : memref<16x160x128xi32, #tpu.memory_space<hbm>> -> memref<1x1x128xi32, #tpu.memory_space<hbm>>
        %dma_wait3A_124 = tpu.memref_squeeze %dma_wait3A_123 : memref<1x1x128xi32, #tpu.memory_space<hbm>> -> memref<128xi32, #tpu.memory_space<hbm>>
        tpu.wait_dma2 semaphore(%arg18 : memref<!tpu.dma_semaphore, #tpu.memory_space<semaphore_mem>>) src(%dma_wait3A_124 : memref<128xi32, #tpu.memory_space<hbm>>) dst(%arg12 : memref<128xi32, #tpu.memory_space<vmem>>)
        %dma_start3A_125 = arith.constant 0 : i32
        %dma_start3A_126 = arith.constant 0 : i32
        %dma_start3A_127 = tpu.memref_slice %arg2[%dma_start3A_125, %dma_start3A_126] : memref<10000x128xf32, #tpu.memory_space<hbm>> -> memref<10000x128xf32, #tpu.memory_space<hbm>>
        tpu.enqueue_indirect_dma source(%dma_start3A_127 : memref<10000x128xf32, #tpu.memory_space<hbm>>) target(%arg14 : memref<128x128xf32, #tpu.memory_space<vmem>>) offsets(%arg10 : memref<128xi32, #tpu.memory_space<vmem>>) semaphore(%arg16 : memref<!tpu.dma_semaphore, #tpu.memory_space<semaphore_mem>>)
        %dma_wait3A_128 = arith.constant 0 : i32
        %dma_wait3A_129 = arith.constant 0 : i32
        %dma_wait3A_130 = tpu.memref_slice %arg2[%dma_wait3A_128, %dma_wait3A_129] : memref<10000x128xf32, #tpu.memory_space<hbm>> -> memref<10000x128xf32, #tpu.memory_space<hbm>>
        tpu.wait_indirect_dma semaphore(%arg17 : memref<!tpu.dma_semaphore, #tpu.memory_space<semaphore_mem>>) src(%dma_wait3A_130 : memref<10000x128xf32, #tpu.memory_space<hbm>>) dst(%arg15 : memref<128x128xf32, #tpu.memory_space<vmem>>)
        "tpu.region"() ({
          %run_scoped3A = tpu.sem_alloc : memref<!tpu.dma_semaphore, #tpu.memory_space<semaphore_mem>>
          %dma_start3A_147 = arith.constant 0 : i32
          %dma_start3A_148 = arith.constant 0 : i32
          %dma_start3A_149 = tpu.memref_slice %arg9[%dma_start3A_147, %dma_start3A_148] : memref<10112x128xf32, #tpu.memory_space<vmem_shared>> -> memref<10112x128xf32, #tpu.memory_space<vmem_shared>>
          tpu.enqueue_indirect_dma source(%arg15 : memref<128x128xf32, #tpu.memory_space<vmem>>) target(%dma_start3A_149 : memref<10112x128xf32, #tpu.memory_space<vmem_shared>>) offsets(%arg13 : memref<128xi32, #tpu.memory_space<vmem>>) semaphore(%run_scoped3A : memref<!tpu.dma_semaphore, #tpu.memory_space<semaphore_mem>>) {add = true}
          %dma_wait3A_150 = arith.constant 0 : i32
          %dma_wait3A_151 = arith.constant 0 : i32
          %dma_wait3A_152 = tpu.memref_slice %arg9[%dma_wait3A_150, %dma_wait3A_151] : memref<10112x128xf32, #tpu.memory_space<vmem_shared>> -> memref<10112x128xf32, #tpu.memory_space<vmem_shared>>
          tpu.wait_indirect_dma semaphore(%run_scoped3A : memref<!tpu.dma_semaphore, #tpu.memory_space<semaphore_mem>>) src(%arg15 : memref<128x128xf32, #tpu.memory_space<vmem>>) dst(%dma_wait3A_152 : memref<10112x128xf32, #tpu.memory_space<vmem_shared>>)
          tpu.yield
        }) : () -> ()
        %add3A_131 = arith.constant 3 : i32
        %add3A_132 = arith.addi %mul3A_76, %add3A_131 : i32
        %min3A_133 = arith.constant 159 : i32
        %min3A_134 = arith.minsi %add3A_132, %min3A_133 : i32
        %dma_start3A_135 = arith.constant 0 : i32
        %dma_start3A_136 = tpu.memref_slice %arg4[%arg1, %min3A_134, %dma_start3A_135] : memref<16x160x128xi32, #tpu.memory_space<hbm>> -> memref<1x1x128xi32, #tpu.memory_space<hbm>>
        %dma_start3A_137 = tpu.memref_squeeze %dma_start3A_136 : memref<1x1x128xi32, #tpu.memory_space<hbm>> -> memref<128xi32, #tpu.memory_space<hbm>>
        %dma_start3A_138 = arith.constant 0 : i32
        %dma_start3A_139 = tpu.memref_slice %arg4[%arg1, %min3A_134, %dma_start3A_138] : memref<16x160x128xi32, #tpu.memory_space<hbm>> -> memref<1x1x128xi32, #tpu.memory_space<hbm>>
        %dma_start3A_140 = tpu.memref_squeeze %dma_start3A_139 : memref<1x1x128xi32, #tpu.memory_space<hbm>> -> memref<128xi32, #tpu.memory_space<hbm>>
        tpu.enqueue_dma source(%dma_start3A_140 : memref<128xi32, #tpu.memory_space<hbm>>) target(%arg11 : memref<128xi32, #tpu.memory_space<vmem>>) target_semaphore(%arg19 : memref<!tpu.dma_semaphore, #tpu.memory_space<semaphore_mem>>)
        %dma_start3A_141 = arith.constant 0 : i32
        %dma_start3A_142 = tpu.memref_slice %arg5[%arg1, %min3A_134, %dma_start3A_141] : memref<16x160x128xi32, #tpu.memory_space<hbm>> -> memref<1x1x128xi32, #tpu.memory_space<hbm>>
        %dma_start3A_143 = tpu.memref_squeeze %dma_start3A_142 : memref<1x1x128xi32, #tpu.memory_space<hbm>> -> memref<128xi32, #tpu.memory_space<hbm>>
        %dma_start3A_144 = arith.constant 0 : i32
        %dma_start3A_145 = tpu.memref_slice %arg5[%arg1, %min3A_134, %dma_start3A_144] : memref<16x160x128xi32, #tpu.memory_space<hbm>> -> memref<1x1x128xi32, #tpu.memory_space<hbm>>
        %dma_start3A_146 = tpu.memref_squeeze %dma_start3A_145 : memref<1x1x128xi32, #tpu.memory_space<hbm>> -> memref<128xi32, #tpu.memory_space<hbm>>
        tpu.enqueue_dma source(%dma_start3A_146 : memref<128xi32, #tpu.memory_space<hbm>>) target(%arg13 : memref<128xi32, #tpu.memory_space<vmem>>) target_semaphore(%arg19 : memref<!tpu.dma_semaphore, #tpu.memory_space<semaphore_mem>>)
      }
      %scan3A_55 = arith.constant 80 : i32
      %dma_wait3A_56 = arith.constant 0 : i32
      %dma_wait3A_57 = arith.constant 0 : i32
      %dma_wait3A_58 = tpu.memref_slice %arg2[%dma_wait3A_56, %dma_wait3A_57] : memref<10000x128xf32, #tpu.memory_space<hbm>> -> memref<10000x128xf32, #tpu.memory_space<hbm>>
      tpu.wait_indirect_dma semaphore(%arg16 : memref<!tpu.dma_semaphore, #tpu.memory_space<semaphore_mem>>) src(%dma_wait3A_58 : memref<10000x128xf32, #tpu.memory_space<hbm>>) dst(%arg14 : memref<128x128xf32, #tpu.memory_space<vmem>>)
      %dma_wait3A_59 = arith.constant 0 : i32
      %dma_wait3A_60 = arith.constant 0 : i32
      %dma_wait3A_61 = tpu.memref_slice %arg4[%arg1, %dma_wait3A_59, %dma_wait3A_60] : memref<16x160x128xi32, #tpu.memory_space<hbm>> -> memref<1x1x128xi32, #tpu.memory_space<hbm>>
      %dma_wait3A_62 = tpu.memref_squeeze %dma_wait3A_61 : memref<1x1x128xi32, #tpu.memory_space<hbm>> -> memref<128xi32, #tpu.memory_space<hbm>>
      %dma_wait3A_63 = arith.constant 0 : i32
      %dma_wait3A_64 = tpu.memref_slice %arg4[%arg1, %dma_wait3A_59, %dma_wait3A_63] : memref<16x160x128xi32, #tpu.memory_space<hbm>> -> memref<1x1x128xi32, #tpu.memory_space<hbm>>
      %dma_wait3A_65 = tpu.memref_squeeze %dma_wait3A_64 : memref<1x1x128xi32, #tpu.memory_space<hbm>> -> memref<128xi32, #tpu.memory_space<hbm>>
      tpu.wait_dma2 semaphore(%arg19 : memref<!tpu.dma_semaphore, #tpu.memory_space<semaphore_mem>>) src(%dma_wait3A_65 : memref<128xi32, #tpu.memory_space<hbm>>) dst(%arg11 : memref<128xi32, #tpu.memory_space<vmem>>)
      %dma_wait3A_66 = arith.constant 0 : i32
      %dma_wait3A_67 = arith.constant 0 : i32
      %dma_wait3A_68 = tpu.memref_slice %arg5[%arg1, %dma_wait3A_66, %dma_wait3A_67] : memref<16x160x128xi32, #tpu.memory_space<hbm>> -> memref<1x1x128xi32, #tpu.memory_space<hbm>>
      %dma_wait3A_69 = tpu.memref_squeeze %dma_wait3A_68 : memref<1x1x128xi32, #tpu.memory_space<hbm>> -> memref<128xi32, #tpu.memory_space<hbm>>
      %dma_wait3A_70 = arith.constant 0 : i32
      %dma_wait3A_71 = tpu.memref_slice %arg5[%arg1, %dma_wait3A_66, %dma_wait3A_70] : memref<16x160x128xi32, #tpu.memory_space<hbm>> -> memref<1x1x128xi32, #tpu.memory_space<hbm>>
      %dma_wait3A_72 = tpu.memref_squeeze %dma_wait3A_71 : memref<1x1x128xi32, #tpu.memory_space<hbm>> -> memref<128xi32, #tpu.memory_space<hbm>>
      tpu.wait_dma2 semaphore(%arg19 : memref<!tpu.dma_semaphore, #tpu.memory_space<semaphore_mem>>) src(%dma_wait3A_72 : memref<128xi32, #tpu.memory_space<hbm>>) dst(%arg13 : memref<128xi32, #tpu.memory_space<vmem>>)
      %barrier3A_73 = arith.constant 0 : index
      tpu.barrier barrier_id(%barrier3A_73)
      "tpu.region"() ({
        %run_scoped3A = tpu.sem_alloc : memref<!tpu.dma_semaphore, #tpu.memory_space<semaphore_mem>>
        %dma_start3A_74 = arith.constant 0 : i32
        %dma_start3A_75 = tpu.memref_slice %arg7[%mul3A_0, %dma_start3A_74] : memref<10112x128xf32, #tpu.memory_space<hbm>> -> memref<632x128xf32, #tpu.memory_space<hbm>>
        %dma_start3A_76 = arith.constant 0 : i32
        %dma_start3A_77 = tpu.memref_slice %arg9[%mul3A_0, %dma_start3A_76] : memref<10112x128xf32, #tpu.memory_space<vmem_shared>> -> memref<632x128xf32, #tpu.memory_space<vmem_shared>>
        tpu.enqueue_dma source(%dma_start3A_77 : memref<632x128xf32, #tpu.memory_space<vmem_shared>>) target(%dma_start3A_75 : memref<632x128xf32, #tpu.memory_space<hbm>>) target_semaphore(%run_scoped3A : memref<!tpu.dma_semaphore, #tpu.memory_space<semaphore_mem>>)
        %dma_wait3A_78 = arith.constant 0 : i32
        %dma_wait3A_79 = tpu.memref_slice %arg7[%mul3A_0, %dma_wait3A_78] : memref<10112x128xf32, #tpu.memory_space<hbm>> -> memref<632x128xf32, #tpu.memory_space<hbm>>
        %dma_wait3A_80 = arith.constant 0 : i32
        %dma_wait3A_81 = tpu.memref_slice %arg9[%mul3A_0, %dma_wait3A_80] : memref<10112x128xf32, #tpu.memory_space<vmem_shared>> -> memref<632x128xf32, #tpu.memory_space<vmem_shared>>
        tpu.wait_dma2 semaphore(%run_scoped3A : memref<!tpu.dma_semaphore, #tpu.memory_space<semaphore_mem>>) src(%dma_wait3A_81 : memref<632x128xf32, #tpu.memory_space<vmem_shared>>) dst(%dma_wait3A_79 : memref<632x128xf32, #tpu.memory_space<hbm>>)
        tpu.yield
      }) : () -> ()
    } else {
    }
    %eq3A_3 = arith.constant 1 : i32
    %eq3A_4 = arith.cmpi eq, %arg0, %eq3A_3 : i32
    %convert_element_type3A_5 = arith.extui %eq3A_4 : i1 to i32
    %cond3A_6 = arith.constant 0 : i32
    %cond3A_7 = arith.cmpi ne, %convert_element_type3A_5, %cond3A_6 : i32
    scf.if %cond3A_7 {
      "tpu.region"() ({
        %run_scoped3A = tpu.sem_alloc : memref<!tpu.dma_semaphore, #tpu.memory_space<semaphore_mem>>
        %dma_start3A_74 = arith.constant 0 : i32
        %dma_start3A_75 = tpu.memref_slice %arg9[%mul3A_0, %dma_start3A_74] : memref<10112x128xf32, #tpu.memory_space<vmem_shared>> -> memref<632x128xf32, #tpu.memory_space<vmem_shared>>
        %dma_start3A_76 = arith.constant 0 : i32
        %dma_start3A_77 = tpu.memref_slice %arg6[%mul3A_0, %dma_start3A_76] : memref<10112x128xf32, #tpu.memory_space<hbm>> -> memref<632x128xf32, #tpu.memory_space<hbm>>
        tpu.enqueue_dma source(%dma_start3A_77 : memref<632x128xf32, #tpu.memory_space<hbm>>) target(%dma_start3A_75 : memref<632x128xf32, #tpu.memory_space<vmem_shared>>) target_semaphore(%run_scoped3A : memref<!tpu.dma_semaphore, #tpu.memory_space<semaphore_mem>>)
        %dma_wait3A_78 = arith.constant 0 : i32
        %dma_wait3A_79 = tpu.memref_slice %arg9[%mul3A_0, %dma_wait3A_78] : memref<10112x128xf32, #tpu.memory_space<vmem_shared>> -> memref<632x128xf32, #tpu.memory_space<vmem_shared>>
        %dma_wait3A_80 = arith.constant 0 : i32
        %dma_wait3A_81 = tpu.memref_slice %arg6[%mul3A_0, %dma_wait3A_80] : memref<10112x128xf32, #tpu.memory_space<hbm>> -> memref<632x128xf32, #tpu.memory_space<hbm>>
        tpu.wait_dma2 semaphore(%run_scoped3A : memref<!tpu.dma_semaphore, #tpu.memory_space<semaphore_mem>>) src(%dma_wait3A_81 : memref<632x128xf32, #tpu.memory_space<hbm>>) dst(%dma_wait3A_79 : memref<632x128xf32, #tpu.memory_space<vmem_shared>>)
        tpu.yield
      }) : () -> ()
      %barrier3A = arith.constant 0 : index
      tpu.barrier barrier_id(%barrier3A)
      %dma_start3A = arith.constant 0 : i32
      %dma_start3A_8 = arith.constant 0 : i32
      %dma_start3A_9 = tpu.memref_slice %arg4[%arg1, %dma_start3A, %dma_start3A_8] : memref<16x160x128xi32, #tpu.memory_space<hbm>> -> memref<1x1x128xi32, #tpu.memory_space<hbm>>
      %dma_start3A_10 = tpu.memref_squeeze %dma_start3A_9 : memref<1x1x128xi32, #tpu.memory_space<hbm>> -> memref<128xi32, #tpu.memory_space<hbm>>
      %dma_start3A_11 = arith.constant 0 : i32
      %dma_start3A_12 = tpu.memref_slice %arg4[%arg1, %dma_start3A, %dma_start3A_11] : memref<16x160x128xi32, #tpu.memory_space<hbm>> -> memref<1x1x128xi32, #tpu.memory_space<hbm>>
      %dma_start3A_13 = tpu.memref_squeeze %dma_start3A_12 : memref<1x1x128xi32, #tpu.memory_space<hbm>> -> memref<128xi32, #tpu.memory_space<hbm>>
      tpu.enqueue_dma source(%dma_start3A_13 : memref<128xi32, #tpu.memory_space<hbm>>) target(%arg10 : memref<128xi32, #tpu.memory_space<vmem>>) target_semaphore(%arg18 : memref<!tpu.dma_semaphore, #tpu.memory_space<semaphore_mem>>)
      %dma_start3A_14 = arith.constant 0 : i32
      %dma_start3A_15 = arith.constant 0 : i32
      %dma_start3A_16 = tpu.memref_slice %arg5[%arg1, %dma_start3A_14, %dma_start3A_15] : memref<16x160x128xi32, #tpu.memory_space<hbm>> -> memref<1x1x128xi32, #tpu.memory_space<hbm>>
      %dma_start3A_17 = tpu.memref_squeeze %dma_start3A_16 : memref<1x1x128xi32, #tpu.memory_space<hbm>> -> memref<128xi32, #tpu.memory_space<hbm>>
      %dma_start3A_18 = arith.constant 0 : i32
      %dma_start3A_19 = tpu.memref_slice %arg5[%arg1, %dma_start3A_14, %dma_start3A_18] : memref<16x160x128xi32, #tpu.memory_space<hbm>> -> memref<1x1x128xi32, #tpu.memory_space<hbm>>
      %dma_start3A_20 = tpu.memref_squeeze %dma_start3A_19 : memref<1x1x128xi32, #tpu.memory_space<hbm>> -> memref<128xi32, #tpu.memory_space<hbm>>
      tpu.enqueue_dma source(%dma_start3A_20 : memref<128xi32, #tpu.memory_space<hbm>>) target(%arg12 : memref<128xi32, #tpu.memory_space<vmem>>) target_semaphore(%arg18 : memref<!tpu.dma_semaphore, #tpu.memory_space<semaphore_mem>>)
      %dma_wait3A = arith.constant 0 : i32
      %dma_wait3A_21 = arith.constant 0 : i32
      %dma_wait3A_22 = tpu.memref_slice %arg4[%arg1, %dma_wait3A, %dma_wait3A_21] : memref<16x160x128xi32, #tpu.memory_space<hbm>> -> memref<1x1x128xi32, #tpu.memory_space<hbm>>
      %dma_wait3A_23 = tpu.memref_squeeze %dma_wait3A_22 : memref<1x1x128xi32, #tpu.memory_space<hbm>> -> memref<128xi32, #tpu.memory_space<hbm>>
      %dma_wait3A_24 = arith.constant 0 : i32
      %dma_wait3A_25 = tpu.memref_slice %arg4[%arg1, %dma_wait3A, %dma_wait3A_24] : memref<16x160x128xi32, #tpu.memory_space<hbm>> -> memref<1x1x128xi32, #tpu.memory_space<hbm>>
      %dma_wait3A_26 = tpu.memref_squeeze %dma_wait3A_25 : memref<1x1x128xi32, #tpu.memory_space<hbm>> -> memref<128xi32, #tpu.memory_space<hbm>>
      tpu.wait_dma2 semaphore(%arg18 : memref<!tpu.dma_semaphore, #tpu.memory_space<semaphore_mem>>) src(%dma_wait3A_26 : memref<128xi32, #tpu.memory_space<hbm>>) dst(%arg10 : memref<128xi32, #tpu.memory_space<vmem>>)
      %dma_wait3A_27 = arith.constant 0 : i32
      %dma_wait3A_28 = arith.constant 0 : i32
      %dma_wait3A_29 = tpu.memref_slice %arg5[%arg1, %dma_wait3A_27, %dma_wait3A_28] : memref<16x160x128xi32, #tpu.memory_space<hbm>> -> memref<1x1x128xi32, #tpu.memory_space<hbm>>
      %dma_wait3A_30 = tpu.memref_squeeze %dma_wait3A_29 : memref<1x1x128xi32, #tpu.memory_space<hbm>> -> memref<128xi32, #tpu.memory_space<hbm>>
      %dma_wait3A_31 = arith.constant 0 : i32
      %dma_wait3A_32 = tpu.memref_slice %arg5[%arg1, %dma_wait3A_27, %dma_wait3A_31] : memref<16x160x128xi32, #tpu.memory_space<hbm>> -> memref<1x1x128xi32, #tpu.memory_space<hbm>>
      %dma_wait3A_33 = tpu.memref_squeeze %dma_wait3A_32 : memref<1x1x128xi32, #tpu.memory_space<hbm>> -> memref<128xi32, #tpu.memory_space<hbm>>
      tpu.wait_dma2 semaphore(%arg18 : memref<!tpu.dma_semaphore, #tpu.memory_space<semaphore_mem>>) src(%dma_wait3A_33 : memref<128xi32, #tpu.memory_space<hbm>>) dst(%arg12 : memref<128xi32, #tpu.memory_space<vmem>>)
      %dma_start3A_34 = arith.constant 0 : i32
      %dma_start3A_35 = arith.constant 0 : i32
      %dma_start3A_36 = tpu.memref_slice %arg3[%dma_start3A_34, %dma_start3A_35] : memref<10000x128xf32, #tpu.memory_space<hbm>> -> memref<10000x128xf32, #tpu.memory_space<hbm>>
      tpu.enqueue_indirect_dma source(%dma_start3A_36 : memref<10000x128xf32, #tpu.memory_space<hbm>>) target(%arg14 : memref<128x128xf32, #tpu.memory_space<vmem>>) offsets(%arg10 : memref<128xi32, #tpu.memory_space<vmem>>) semaphore(%arg16 : memref<!tpu.dma_semaphore, #tpu.memory_space<semaphore_mem>>)
      %dma_start3A_37 = arith.constant 1 : i32
      %dma_start3A_38 = arith.constant 0 : i32
      %dma_start3A_39 = tpu.memref_slice %arg4[%arg1, %dma_start3A_37, %dma_start3A_38] : memref<16x160x128xi32, #tpu.memory_space<hbm>> -> memref<1x1x128xi32, #tpu.memory_space<hbm>>
      %dma_start3A_40 = tpu.memref_squeeze %dma_start3A_39 : memref<1x1x128xi32, #tpu.memory_space<hbm>> -> memref<128xi32, #tpu.memory_space<hbm>>
      %dma_start3A_41 = arith.constant 0 : i32
      %dma_start3A_42 = tpu.memref_slice %arg4[%arg1, %dma_start3A_37, %dma_start3A_41] : memref<16x160x128xi32, #tpu.memory_space<hbm>> -> memref<1x1x128xi32, #tpu.memory_space<hbm>>
      %dma_start3A_43 = tpu.memref_squeeze %dma_start3A_42 : memref<1x1x128xi32, #tpu.memory_space<hbm>> -> memref<128xi32, #tpu.memory_space<hbm>>
      tpu.enqueue_dma source(%dma_start3A_43 : memref<128xi32, #tpu.memory_space<hbm>>) target(%arg11 : memref<128xi32, #tpu.memory_space<vmem>>) target_semaphore(%arg19 : memref<!tpu.dma_semaphore, #tpu.memory_space<semaphore_mem>>)
      %dma_start3A_44 = arith.constant 1 : i32
      %dma_start3A_45 = arith.constant 0 : i32
      %dma_start3A_46 = tpu.memref_slice %arg5[%arg1, %dma_start3A_44, %dma_start3A_45] : memref<16x160x128xi32, #tpu.memory_space<hbm>> -> memref<1x1x128xi32, #tpu.memory_space<hbm>>
      %dma_start3A_47 = tpu.memref_squeeze %dma_start3A_46 : memref<1x1x128xi32, #tpu.memory_space<hbm>> -> memref<128xi32, #tpu.memory_space<hbm>>
      %dma_start3A_48 = arith.constant 0 : i32
      %dma_start3A_49 = tpu.memref_slice %arg5[%arg1, %dma_start3A_44, %dma_start3A_48] : memref<16x160x128xi32, #tpu.memory_space<hbm>> -> memref<1x1x128xi32, #tpu.memory_space<hbm>>
      %dma_start3A_50 = tpu.memref_squeeze %dma_start3A_49 : memref<1x1x128xi32, #tpu.memory_space<hbm>> -> memref<128xi32, #tpu.memory_space<hbm>>
      tpu.enqueue_dma source(%dma_start3A_50 : memref<128xi32, #tpu.memory_space<hbm>>) target(%arg13 : memref<128xi32, #tpu.memory_space<vmem>>) target_semaphore(%arg19 : memref<!tpu.dma_semaphore, #tpu.memory_space<semaphore_mem>>)
      %scan3A = arith.constant 0 : i32
      %scan3A_51 = arith.constant 0 : i32
      %scan3A_52 = arith.constant 80 : i32
      %scan3A_53 = arith.addi %scan3A_51, %scan3A_52 : i32
      %scan3A_54 = arith.constant 1 : i32
      scf.for %scan3A_74 = %scan3A_51 to %scan3A_53 step %scan3A_54  : i32 {
        %mul3A_75 = arith.constant 2 : i32
        %mul3A_76 = arith.muli %mul3A_75, %scan3A_74 : i32
        %dma_wait3A_77 = arith.constant 0 : i32
        %dma_wait3A_78 = arith.constant 0 : i32
        %dma_wait3A_79 = tpu.memref_slice %arg4[%arg1, %dma_wait3A_77, %dma_wait3A_78] : memref<16x160x128xi32, #tpu.memory_space<hbm>> -> memref<1x1x128xi32, #tpu.memory_space<hbm>>
        %dma_wait3A_80 = tpu.memref_squeeze %dma_wait3A_79 : memref<1x1x128xi32, #tpu.memory_space<hbm>> -> memref<128xi32, #tpu.memory_space<hbm>>
        %dma_wait3A_81 = arith.constant 0 : i32
        %dma_wait3A_82 = tpu.memref_slice %arg4[%arg1, %dma_wait3A_77, %dma_wait3A_81] : memref<16x160x128xi32, #tpu.memory_space<hbm>> -> memref<1x1x128xi32, #tpu.memory_space<hbm>>
        %dma_wait3A_83 = tpu.memref_squeeze %dma_wait3A_82 : memref<1x1x128xi32, #tpu.memory_space<hbm>> -> memref<128xi32, #tpu.memory_space<hbm>>
        tpu.wait_dma2 semaphore(%arg19 : memref<!tpu.dma_semaphore, #tpu.memory_space<semaphore_mem>>) src(%dma_wait3A_83 : memref<128xi32, #tpu.memory_space<hbm>>) dst(%arg11 : memref<128xi32, #tpu.memory_space<vmem>>)
        %dma_wait3A_84 = arith.constant 0 : i32
        %dma_wait3A_85 = arith.constant 0 : i32
        %dma_wait3A_86 = tpu.memref_slice %arg5[%arg1, %dma_wait3A_84, %dma_wait3A_85] : memref<16x160x128xi32, #tpu.memory_space<hbm>> -> memref<1x1x128xi32, #tpu.memory_space<hbm>>
        %dma_wait3A_87 = tpu.memref_squeeze %dma_wait3A_86 : memref<1x1x128xi32, #tpu.memory_space<hbm>> -> memref<128xi32, #tpu.memory_space<hbm>>
        %dma_wait3A_88 = arith.constant 0 : i32
        %dma_wait3A_89 = tpu.memref_slice %arg5[%arg1, %dma_wait3A_84, %dma_wait3A_88] : memref<16x160x128xi32, #tpu.memory_space<hbm>> -> memref<1x1x128xi32, #tpu.memory_space<hbm>>
        %dma_wait3A_90 = tpu.memref_squeeze %dma_wait3A_89 : memref<1x1x128xi32, #tpu.memory_space<hbm>> -> memref<128xi32, #tpu.memory_space<hbm>>
        tpu.wait_dma2 semaphore(%arg19 : memref<!tpu.dma_semaphore, #tpu.memory_space<semaphore_mem>>) src(%dma_wait3A_90 : memref<128xi32, #tpu.memory_space<hbm>>) dst(%arg13 : memref<128xi32, #tpu.memory_space<vmem>>)
        %dma_start3A_91 = arith.constant 0 : i32
        %dma_start3A_92 = arith.constant 0 : i32
        %dma_start3A_93 = tpu.memref_slice %arg3[%dma_start3A_91, %dma_start3A_92] : memref<10000x128xf32, #tpu.memory_space<hbm>> -> memref<10000x128xf32, #tpu.memory_space<hbm>>
        tpu.enqueue_indirect_dma source(%dma_start3A_93 : memref<10000x128xf32, #tpu.memory_space<hbm>>) target(%arg15 : memref<128x128xf32, #tpu.memory_space<vmem>>) offsets(%arg11 : memref<128xi32, #tpu.memory_space<vmem>>) semaphore(%arg17 : memref<!tpu.dma_semaphore, #tpu.memory_space<semaphore_mem>>)
        %dma_wait3A_94 = arith.constant 0 : i32
        %dma_wait3A_95 = arith.constant 0 : i32
        %dma_wait3A_96 = tpu.memref_slice %arg3[%dma_wait3A_94, %dma_wait3A_95] : memref<10000x128xf32, #tpu.memory_space<hbm>> -> memref<10000x128xf32, #tpu.memory_space<hbm>>
        tpu.wait_indirect_dma semaphore(%arg16 : memref<!tpu.dma_semaphore, #tpu.memory_space<semaphore_mem>>) src(%dma_wait3A_96 : memref<10000x128xf32, #tpu.memory_space<hbm>>) dst(%arg14 : memref<128x128xf32, #tpu.memory_space<vmem>>)
        "tpu.region"() ({
          %run_scoped3A = tpu.sem_alloc : memref<!tpu.dma_semaphore, #tpu.memory_space<semaphore_mem>>
          %dma_start3A_147 = arith.constant 0 : i32
          %dma_start3A_148 = arith.constant 0 : i32
          %dma_start3A_149 = tpu.memref_slice %arg9[%dma_start3A_147, %dma_start3A_148] : memref<10112x128xf32, #tpu.memory_space<vmem_shared>> -> memref<10112x128xf32, #tpu.memory_space<vmem_shared>>
          tpu.enqueue_indirect_dma source(%arg14 : memref<128x128xf32, #tpu.memory_space<vmem>>) target(%dma_start3A_149 : memref<10112x128xf32, #tpu.memory_space<vmem_shared>>) offsets(%arg12 : memref<128xi32, #tpu.memory_space<vmem>>) semaphore(%run_scoped3A : memref<!tpu.dma_semaphore, #tpu.memory_space<semaphore_mem>>) {add = true}
          %dma_wait3A_150 = arith.constant 0 : i32
          %dma_wait3A_151 = arith.constant 0 : i32
          %dma_wait3A_152 = tpu.memref_slice %arg9[%dma_wait3A_150, %dma_wait3A_151] : memref<10112x128xf32, #tpu.memory_space<vmem_shared>> -> memref<10112x128xf32, #tpu.memory_space<vmem_shared>>
          tpu.wait_indirect_dma semaphore(%run_scoped3A : memref<!tpu.dma_semaphore, #tpu.memory_space<semaphore_mem>>) src(%arg14 : memref<128x128xf32, #tpu.memory_space<vmem>>) dst(%dma_wait3A_152 : memref<10112x128xf32, #tpu.memory_space<vmem_shared>>)
          tpu.yield
        }) : () -> ()
        %add3A = arith.constant 2 : i32
        %add3A_97 = arith.addi %mul3A_76, %add3A : i32
        %min3A = arith.constant 159 : i32
        %min3A_98 = arith.minsi %add3A_97, %min3A : i32
        %dma_start3A_99 = arith.constant 0 : i32
        %dma_start3A_100 = tpu.memref_slice %arg4[%arg1, %min3A_98, %dma_start3A_99] : memref<16x160x128xi32, #tpu.memory_space<hbm>> -> memref<1x1x128xi32, #tpu.memory_space<hbm>>
        %dma_start3A_101 = tpu.memref_squeeze %dma_start3A_100 : memref<1x1x128xi32, #tpu.memory_space<hbm>> -> memref<128xi32, #tpu.memory_space<hbm>>
        %dma_start3A_102 = arith.constant 0 : i32
        %dma_start3A_103 = tpu.memref_slice %arg4[%arg1, %min3A_98, %dma_start3A_102] : memref<16x160x128xi32, #tpu.memory_space<hbm>> -> memref<1x1x128xi32, #tpu.memory_space<hbm>>
        %dma_start3A_104 = tpu.memref_squeeze %dma_start3A_103 : memref<1x1x128xi32, #tpu.memory_space<hbm>> -> memref<128xi32, #tpu.memory_space<hbm>>
        tpu.enqueue_dma source(%dma_start3A_104 : memref<128xi32, #tpu.memory_space<hbm>>) target(%arg10 : memref<128xi32, #tpu.memory_space<vmem>>) target_semaphore(%arg18 : memref<!tpu.dma_semaphore, #tpu.memory_space<semaphore_mem>>)
        %dma_start3A_105 = arith.constant 0 : i32
        %dma_start3A_106 = tpu.memref_slice %arg5[%arg1, %min3A_98, %dma_start3A_105] : memref<16x160x128xi32, #tpu.memory_space<hbm>> -> memref<1x1x128xi32, #tpu.memory_space<hbm>>
        %dma_start3A_107 = tpu.memref_squeeze %dma_start3A_106 : memref<1x1x128xi32, #tpu.memory_space<hbm>> -> memref<128xi32, #tpu.memory_space<hbm>>
        %dma_start3A_108 = arith.constant 0 : i32
        %dma_start3A_109 = tpu.memref_slice %arg5[%arg1, %min3A_98, %dma_start3A_108] : memref<16x160x128xi32, #tpu.memory_space<hbm>> -> memref<1x1x128xi32, #tpu.memory_space<hbm>>
        %dma_start3A_110 = tpu.memref_squeeze %dma_start3A_109 : memref<1x1x128xi32, #tpu.memory_space<hbm>> -> memref<128xi32, #tpu.memory_space<hbm>>
        tpu.enqueue_dma source(%dma_start3A_110 : memref<128xi32, #tpu.memory_space<hbm>>) target(%arg12 : memref<128xi32, #tpu.memory_space<vmem>>) target_semaphore(%arg18 : memref<!tpu.dma_semaphore, #tpu.memory_space<semaphore_mem>>)
        %dma_wait3A_111 = arith.constant 0 : i32
        %dma_wait3A_112 = arith.constant 0 : i32
        %dma_wait3A_113 = tpu.memref_slice %arg4[%arg1, %dma_wait3A_111, %dma_wait3A_112] : memref<16x160x128xi32, #tpu.memory_space<hbm>> -> memref<1x1x128xi32, #tpu.memory_space<hbm>>
        %dma_wait3A_114 = tpu.memref_squeeze %dma_wait3A_113 : memref<1x1x128xi32, #tpu.memory_space<hbm>> -> memref<128xi32, #tpu.memory_space<hbm>>
        %dma_wait3A_115 = arith.constant 0 : i32
        %dma_wait3A_116 = tpu.memref_slice %arg4[%arg1, %dma_wait3A_111, %dma_wait3A_115] : memref<16x160x128xi32, #tpu.memory_space<hbm>> -> memref<1x1x128xi32, #tpu.memory_space<hbm>>
        %dma_wait3A_117 = tpu.memref_squeeze %dma_wait3A_116 : memref<1x1x128xi32, #tpu.memory_space<hbm>> -> memref<128xi32, #tpu.memory_space<hbm>>
        tpu.wait_dma2 semaphore(%arg18 : memref<!tpu.dma_semaphore, #tpu.memory_space<semaphore_mem>>) src(%dma_wait3A_117 : memref<128xi32, #tpu.memory_space<hbm>>) dst(%arg10 : memref<128xi32, #tpu.memory_space<vmem>>)
        %dma_wait3A_118 = arith.constant 0 : i32
        %dma_wait3A_119 = arith.constant 0 : i32
        %dma_wait3A_120 = tpu.memref_slice %arg5[%arg1, %dma_wait3A_118, %dma_wait3A_119] : memref<16x160x128xi32, #tpu.memory_space<hbm>> -> memref<1x1x128xi32, #tpu.memory_space<hbm>>
        %dma_wait3A_121 = tpu.memref_squeeze %dma_wait3A_120 : memref<1x1x128xi32, #tpu.memory_space<hbm>> -> memref<128xi32, #tpu.memory_space<hbm>>
        %dma_wait3A_122 = arith.constant 0 : i32
        %dma_wait3A_123 = tpu.memref_slice %arg5[%arg1, %dma_wait3A_118, %dma_wait3A_122] : memref<16x160x128xi32, #tpu.memory_space<hbm>> -> memref<1x1x128xi32, #tpu.memory_space<hbm>>
        %dma_wait3A_124 = tpu.memref_squeeze %dma_wait3A_123 : memref<1x1x128xi32, #tpu.memory_space<hbm>> -> memref<128xi32, #tpu.memory_space<hbm>>
        tpu.wait_dma2 semaphore(%arg18 : memref<!tpu.dma_semaphore, #tpu.memory_space<semaphore_mem>>) src(%dma_wait3A_124 : memref<128xi32, #tpu.memory_space<hbm>>) dst(%arg12 : memref<128xi32, #tpu.memory_space<vmem>>)
        %dma_start3A_125 = arith.constant 0 : i32
        %dma_start3A_126 = arith.constant 0 : i32
        %dma_start3A_127 = tpu.memref_slice %arg3[%dma_start3A_125, %dma_start3A_126] : memref<10000x128xf32, #tpu.memory_space<hbm>> -> memref<10000x128xf32, #tpu.memory_space<hbm>>
        tpu.enqueue_indirect_dma source(%dma_start3A_127 : memref<10000x128xf32, #tpu.memory_space<hbm>>) target(%arg14 : memref<128x128xf32, #tpu.memory_space<vmem>>) offsets(%arg10 : memref<128xi32, #tpu.memory_space<vmem>>) semaphore(%arg16 : memref<!tpu.dma_semaphore, #tpu.memory_space<semaphore_mem>>)
        %dma_wait3A_128 = arith.constant 0 : i32
        %dma_wait3A_129 = arith.constant 0 : i32
        %dma_wait3A_130 = tpu.memref_slice %arg3[%dma_wait3A_128, %dma_wait3A_129] : memref<10000x128xf32, #tpu.memory_space<hbm>> -> memref<10000x128xf32, #tpu.memory_space<hbm>>
        tpu.wait_indirect_dma semaphore(%arg17 : memref<!tpu.dma_semaphore, #tpu.memory_space<semaphore_mem>>) src(%dma_wait3A_130 : memref<10000x128xf32, #tpu.memory_space<hbm>>) dst(%arg15 : memref<128x128xf32, #tpu.memory_space<vmem>>)
        "tpu.region"() ({
          %run_scoped3A = tpu.sem_alloc : memref<!tpu.dma_semaphore, #tpu.memory_space<semaphore_mem>>
          %dma_start3A_147 = arith.constant 0 : i32
          %dma_start3A_148 = arith.constant 0 : i32
          %dma_start3A_149 = tpu.memref_slice %arg9[%dma_start3A_147, %dma_start3A_148] : memref<10112x128xf32, #tpu.memory_space<vmem_shared>> -> memref<10112x128xf32, #tpu.memory_space<vmem_shared>>
          tpu.enqueue_indirect_dma source(%arg15 : memref<128x128xf32, #tpu.memory_space<vmem>>) target(%dma_start3A_149 : memref<10112x128xf32, #tpu.memory_space<vmem_shared>>) offsets(%arg13 : memref<128xi32, #tpu.memory_space<vmem>>) semaphore(%run_scoped3A : memref<!tpu.dma_semaphore, #tpu.memory_space<semaphore_mem>>) {add = true}
          %dma_wait3A_150 = arith.constant 0 : i32
          %dma_wait3A_151 = arith.constant 0 : i32
          %dma_wait3A_152 = tpu.memref_slice %arg9[%dma_wait3A_150, %dma_wait3A_151] : memref<10112x128xf32, #tpu.memory_space<vmem_shared>> -> memref<10112x128xf32, #tpu.memory_space<vmem_shared>>
          tpu.wait_indirect_dma semaphore(%run_scoped3A : memref<!tpu.dma_semaphore, #tpu.memory_space<semaphore_mem>>) src(%arg15 : memref<128x128xf32, #tpu.memory_space<vmem>>) dst(%dma_wait3A_152 : memref<10112x128xf32, #tpu.memory_space<vmem_shared>>)
          tpu.yield
        }) : () -> ()
        %add3A_131 = arith.constant 3 : i32
        %add3A_132 = arith.addi %mul3A_76, %add3A_131 : i32
        %min3A_133 = arith.constant 159 : i32
        %min3A_134 = arith.minsi %add3A_132, %min3A_133 : i32
        %dma_start3A_135 = arith.constant 0 : i32
        %dma_start3A_136 = tpu.memref_slice %arg4[%arg1, %min3A_134, %dma_start3A_135] : memref<16x160x128xi32, #tpu.memory_space<hbm>> -> memref<1x1x128xi32, #tpu.memory_space<hbm>>
        %dma_start3A_137 = tpu.memref_squeeze %dma_start3A_136 : memref<1x1x128xi32, #tpu.memory_space<hbm>> -> memref<128xi32, #tpu.memory_space<hbm>>
        %dma_start3A_138 = arith.constant 0 : i32
        %dma_start3A_139 = tpu.memref_slice %arg4[%arg1, %min3A_134, %dma_start3A_138] : memref<16x160x128xi32, #tpu.memory_space<hbm>> -> memref<1x1x128xi32, #tpu.memory_space<hbm>>
        %dma_start3A_140 = tpu.memref_squeeze %dma_start3A_139 : memref<1x1x128xi32, #tpu.memory_space<hbm>> -> memref<128xi32, #tpu.memory_space<hbm>>
        tpu.enqueue_dma source(%dma_start3A_140 : memref<128xi32, #tpu.memory_space<hbm>>) target(%arg11 : memref<128xi32, #tpu.memory_space<vmem>>) target_semaphore(%arg19 : memref<!tpu.dma_semaphore, #tpu.memory_space<semaphore_mem>>)
        %dma_start3A_141 = arith.constant 0 : i32
        %dma_start3A_142 = tpu.memref_slice %arg5[%arg1, %min3A_134, %dma_start3A_141] : memref<16x160x128xi32, #tpu.memory_space<hbm>> -> memref<1x1x128xi32, #tpu.memory_space<hbm>>
        %dma_start3A_143 = tpu.memref_squeeze %dma_start3A_142 : memref<1x1x128xi32, #tpu.memory_space<hbm>> -> memref<128xi32, #tpu.memory_space<hbm>>
        %dma_start3A_144 = arith.constant 0 : i32
        %dma_start3A_145 = tpu.memref_slice %arg5[%arg1, %min3A_134, %dma_start3A_144] : memref<16x160x128xi32, #tpu.memory_space<hbm>> -> memref<1x1x128xi32, #tpu.memory_space<hbm>>
        %dma_start3A_146 = tpu.memref_squeeze %dma_start3A_145 : memref<1x1x128xi32, #tpu.memory_space<hbm>> -> memref<128xi32, #tpu.memory_space<hbm>>
        tpu.enqueue_dma source(%dma_start3A_146 : memref<128xi32, #tpu.memory_space<hbm>>) target(%arg13 : memref<128xi32, #tpu.memory_space<vmem>>) target_semaphore(%arg19 : memref<!tpu.dma_semaphore, #tpu.memory_space<semaphore_mem>>)
      }
      %scan3A_55 = arith.constant 80 : i32
      %dma_wait3A_56 = arith.constant 0 : i32
      %dma_wait3A_57 = arith.constant 0 : i32
      %dma_wait3A_58 = tpu.memref_slice %arg3[%dma_wait3A_56, %dma_wait3A_57] : memref<10000x128xf32, #tpu.memory_space<hbm>> -> memref<10000x128xf32, #tpu.memory_space<hbm>>
      tpu.wait_indirect_dma semaphore(%arg16 : memref<!tpu.dma_semaphore, #tpu.memory_space<semaphore_mem>>) src(%dma_wait3A_58 : memref<10000x128xf32, #tpu.memory_space<hbm>>) dst(%arg14 : memref<128x128xf32, #tpu.memory_space<vmem>>)
      %dma_wait3A_59 = arith.constant 0 : i32
      %dma_wait3A_60 = arith.constant 0 : i32
      %dma_wait3A_61 = tpu.memref_slice %arg4[%arg1, %dma_wait3A_59, %dma_wait3A_60] : memref<16x160x128xi32, #tpu.memory_space<hbm>> -> memref<1x1x128xi32, #tpu.memory_space<hbm>>
      %dma_wait3A_62 = tpu.memref_squeeze %dma_wait3A_61 : memref<1x1x128xi32, #tpu.memory_space<hbm>> -> memref<128xi32, #tpu.memory_space<hbm>>
      %dma_wait3A_63 = arith.constant 0 : i32
      %dma_wait3A_64 = tpu.memref_slice %arg4[%arg1, %dma_wait3A_59, %dma_wait3A_63] : memref<16x160x128xi32, #tpu.memory_space<hbm>> -> memref<1x1x128xi32, #tpu.memory_space<hbm>>
      %dma_wait3A_65 = tpu.memref_squeeze %dma_wait3A_64 : memref<1x1x128xi32, #tpu.memory_space<hbm>> -> memref<128xi32, #tpu.memory_space<hbm>>
      tpu.wait_dma2 semaphore(%arg19 : memref<!tpu.dma_semaphore, #tpu.memory_space<semaphore_mem>>) src(%dma_wait3A_65 : memref<128xi32, #tpu.memory_space<hbm>>) dst(%arg11 : memref<128xi32, #tpu.memory_space<vmem>>)
      %dma_wait3A_66 = arith.constant 0 : i32
      %dma_wait3A_67 = arith.constant 0 : i32
      %dma_wait3A_68 = tpu.memref_slice %arg5[%arg1, %dma_wait3A_66, %dma_wait3A_67] : memref<16x160x128xi32, #tpu.memory_space<hbm>> -> memref<1x1x128xi32, #tpu.memory_space<hbm>>
      %dma_wait3A_69 = tpu.memref_squeeze %dma_wait3A_68 : memref<1x1x128xi32, #tpu.memory_space<hbm>> -> memref<128xi32, #tpu.memory_space<hbm>>
      %dma_wait3A_70 = arith.constant 0 : i32
      %dma_wait3A_71 = tpu.memref_slice %arg5[%arg1, %dma_wait3A_66, %dma_wait3A_70] : memref<16x160x128xi32, #tpu.memory_space<hbm>> -> memref<1x1x128xi32, #tpu.memory_space<hbm>>
      %dma_wait3A_72 = tpu.memref_squeeze %dma_wait3A_71 : memref<1x1x128xi32, #tpu.memory_space<hbm>> -> memref<128xi32, #tpu.memory_space<hbm>>
      tpu.wait_dma2 semaphore(%arg19 : memref<!tpu.dma_semaphore, #tpu.memory_space<semaphore_mem>>) src(%dma_wait3A_72 : memref<128xi32, #tpu.memory_space<hbm>>) dst(%arg13 : memref<128xi32, #tpu.memory_space<vmem>>)
      %barrier3A_73 = arith.constant 0 : index
      tpu.barrier barrier_id(%barrier3A_73)
      "tpu.region"() ({
        %run_scoped3A = tpu.sem_alloc : memref<!tpu.dma_semaphore, #tpu.memory_space<semaphore_mem>>
        %dma_start3A_74 = arith.constant 0 : i32
        %dma_start3A_75 = tpu.memref_slice %arg8[%mul3A_0, %dma_start3A_74] : memref<10112x128xf32, #tpu.memory_space<hbm>> -> memref<632x128xf32, #tpu.memory_space<hbm>>
        %dma_start3A_76 = arith.constant 0 : i32
        %dma_start3A_77 = tpu.memref_slice %arg9[%mul3A_0, %dma_start3A_76] : memref<10112x128xf32, #tpu.memory_space<vmem_shared>> -> memref<632x128xf32, #tpu.memory_space<vmem_shared>>
        tpu.enqueue_dma source(%dma_start3A_77 : memref<632x128xf32, #tpu.memory_space<vmem_shared>>) target(%dma_start3A_75 : memref<632x128xf32, #tpu.memory_space<hbm>>) target_semaphore(%run_scoped3A : memref<!tpu.dma_semaphore, #tpu.memory_space<semaphore_mem>>)
        %dma_wait3A_78 = arith.constant 0 : i32
        %dma_wait3A_79 = tpu.memref_slice %arg8[%mul3A_0, %dma_wait3A_78] : memref<10112x128xf32, #tpu.memory_space<hbm>> -> memref<632x128xf32, #tpu.memory_space<hbm>>
        %dma_wait3A_80 = arith.constant 0 : i32
        %dma_wait3A_81 = tpu.memref_slice %arg9[%mul3A_0, %dma_wait3A_80] : memref<10112x128xf32, #tpu.memory_space<vmem_shared>> -> memref<632x128xf32, #tpu.memory_space<vmem_shared>>
        tpu.wait_dma2 semaphore(%run_scoped3A : memref<!tpu.dma_semaphore, #tpu.memory_space<semaphore_mem>>) src(%dma_wait3A_81 : memref<632x128xf32, #tpu.memory_space<vmem_shared>>) dst(%dma_wait3A_79 : memref<632x128xf32, #tpu.memory_space<hbm>>)
        tpu.yield
      }) : () -> ()
    } else {
    }
    return
  }
}

module attributes {stable_mosaic.version = 14 : i64} {
  func.func @_tc_self_body(%arg0: i32, %arg1: memref<400x256xf32, #tpu.memory_space<vmem>>, %arg2: memref<256x256xf32, #tpu.memory_space<vmem>>, %arg3: memref<1x256xf32, #tpu.memory_space<vmem>>, %arg4: memref<400x256xf32, #tpu.memory_space<vmem>>) attributes {dimension_semantics = [#tpu.dimension_semantics<arbitrary>], iteration_bounds = array<i64: 25>, scalar_prefetch = 0 : i64, scratch_operands = 0 : i64, tpu.core_type = #tpu.core_type<tc>, window_params = [{transform_indices = @transform_0, window_bounds = array<i64: 400, 256>}, {pipeline_mode = #tpu.pipeline_mode<synchronous>, transform_indices = @transform_1, window_bounds = array<i64: 256, 256>}, {pipeline_mode = #tpu.pipeline_mode<synchronous>, transform_indices = @transform_2, window_bounds = array<i64: 1, 256>}, {transform_indices = @transform_3, window_bounds = array<i64: 400, 256>}]} {
    %get3A = arith.constant 0 : index
    %get3A_0 = arith.constant 0 : index
    %get3A_1 = vector.load %arg1[%get3A, %get3A_0] : memref<400x256xf32, #tpu.memory_space<vmem>>, vector<400x256xf32>
    %get3A_2 = arith.constant 0 : index
    %get3A_3 = arith.constant 0 : index
    %get3A_4 = vector.load %arg2[%get3A_2, %get3A_3] : memref<256x256xf32, #tpu.memory_space<vmem>>, vector<256x256xf32>
    %dot_general3A = arith.constant dense<0.000000e+00> : vector<400x256xf32>
    %dot_general3A_5 = tpu.matmul %get3A_1, %get3A_4, %dot_general3A {dimension_numbers = #tpu.dot_dimension_numbers<[1], [0], [0], [1], [0, 0, 1, 1], [], []>, transpose_lhs_hint = false} : vector<400x256xf32>, vector<256x256xf32>, vector<400x256xf32> -> vector<400x256xf32>
    %get3A_6 = arith.constant 0 : index
    %get3A_7 = arith.constant 0 : index
    %get3A_8 = vector.load %arg3[%get3A_6, %get3A_7] : memref<1x256xf32, #tpu.memory_space<vmem>>, vector<1x256xf32>
    %add3A = vector.broadcast %get3A_8 : vector<1x256xf32> to vector<400x256xf32>
    %add3A_9 = arith.addf %dot_general3A_5, %add3A : vector<400x256xf32>
    %swap3A = arith.constant 0 : index
    %swap3A_10 = arith.constant 0 : index
    %swap3A_11 = vector.load %arg4[%swap3A, %swap3A_10] : memref<400x256xf32, #tpu.memory_space<vmem>>, vector<400x256xf32>
    tpu.vector_store %arg4[%swap3A, %swap3A_10], %add3A_9 {strides = array<i32>} : memref<400x256xf32, #tpu.memory_space<vmem>>, vector<400x256xf32>,
    return
  }
  func.func @transform_0(%arg0: i32) -> (i32, i32) {
    %c0_i32 = arith.constant 0 : i32
    %c0_i32_0 = arith.constant 0 : i32
    return %arg0, %c0_i32 : i32, i32
  }
  func.func @transform_1(%arg0: i32) -> (i32, i32) {
    %c0_i32 = arith.constant 0 : i32
    %c0_i32_0 = arith.constant 0 : i32
    %c0_i32_1 = arith.constant 0 : i32
    return %c0_i32, %c0_i32_0 : i32, i32
  }
  func.func @transform_2(%arg0: i32) -> (i32, i32) {
    %c0_i32 = arith.constant 0 : i32
    %c0_i32_0 = arith.constant 0 : i32
    %c0_i32_1 = arith.constant 0 : i32
    return %c0_i32, %c0_i32_0 : i32, i32
  }
  func.func @transform_3(%arg0: i32) -> (i32, i32) {
    %c0_i32 = arith.constant 0 : i32
    %c0_i32_0 = arith.constant 0 : i32
    return %arg0, %c0_i32 : i32, i32
  }
}

module attributes {stable_mosaic.version = 14 : i64} {
  func.func @_tc_combine_body(%arg0: i32, %arg1: memref<400x256xf32, #tpu.memory_space<vmem>>, %arg2: memref<400x128xf32, #tpu.memory_space<vmem>>, %arg3: memref<400x128xf32, #tpu.memory_space<vmem>>, %arg4: memref<128x256xf32, #tpu.memory_space<vmem>>, %arg5: memref<128x256xf32, #tpu.memory_space<vmem>>, %arg6: memref<400x256xf32, #tpu.memory_space<vmem>>) attributes {dimension_semantics = [#tpu.dimension_semantics<arbitrary>], iteration_bounds = array<i64: 25>, scalar_prefetch = 0 : i64, scratch_operands = 0 : i64, tpu.core_type = #tpu.core_type<tc>, window_params = [{transform_indices = @transform_0, window_bounds = array<i64: 400, 256>}, {transform_indices = @transform_1, window_bounds = array<i64: 400, 128>}, {transform_indices = @transform_2, window_bounds = array<i64: 400, 128>}, {pipeline_mode = #tpu.pipeline_mode<synchronous>, transform_indices = @transform_3, window_bounds = array<i64: 128, 256>}, {pipeline_mode = #tpu.pipeline_mode<synchronous>, transform_indices = @transform_4, window_bounds = array<i64: 128, 256>}, {transform_indices = @transform_5, window_bounds = array<i64: 400, 256>}]} {
    %get3A = arith.constant 0 : index
    %get3A_0 = arith.constant 0 : index
    %get3A_1 = vector.load %arg1[%get3A, %get3A_0] : memref<400x256xf32, #tpu.memory_space<vmem>>, vector<400x256xf32>
    %get3A_2 = arith.constant 0 : index
    %get3A_3 = arith.constant 0 : index
    %get3A_4 = vector.load %arg2[%get3A_2, %get3A_3] : memref<400x128xf32, #tpu.memory_space<vmem>>, vector<400x128xf32>
    %get3A_5 = arith.constant 0 : index
    %get3A_6 = arith.constant 0 : index
    %get3A_7 = vector.load %arg4[%get3A_5, %get3A_6] : memref<128x256xf32, #tpu.memory_space<vmem>>, vector<128x256xf32>
    %dot_general3A = arith.constant dense<0.000000e+00> : vector<400x256xf32>
    %dot_general3A_8 = tpu.matmul %get3A_4, %get3A_7, %dot_general3A {dimension_numbers = #tpu.dot_dimension_numbers<[1], [0], [0], [1], [0, 0, 1, 1], [], []>, transpose_lhs_hint = false} : vector<400x128xf32>, vector<128x256xf32>, vector<400x256xf32> -> vector<400x256xf32>
    %add3A = arith.addf %get3A_1, %dot_general3A_8 : vector<400x256xf32>
    %get3A_9 = arith.constant 0 : index
    %get3A_10 = arith.constant 0 : index
    %get3A_11 = vector.load %arg3[%get3A_9, %get3A_10] : memref<400x128xf32, #tpu.memory_space<vmem>>, vector<400x128xf32>
    %get3A_12 = arith.constant 0 : index
    %get3A_13 = arith.constant 0 : index
    %get3A_14 = vector.load %arg5[%get3A_12, %get3A_13] : memref<128x256xf32, #tpu.memory_space<vmem>>, vector<128x256xf32>
    %dot_general3A_15 = arith.constant dense<0.000000e+00> : vector<400x256xf32>
    %dot_general3A_16 = tpu.matmul %get3A_11, %get3A_14, %dot_general3A_15 {dimension_numbers = #tpu.dot_dimension_numbers<[1], [0], [0], [1], [0, 0, 1, 1], [], []>, transpose_lhs_hint = false} : vector<400x128xf32>, vector<128x256xf32>, vector<400x256xf32> -> vector<400x256xf32>
    %add3A_17 = arith.addf %add3A, %dot_general3A_16 : vector<400x256xf32>
    %max3A = arith.constant 0.000000e+00 : f32
    %max3A_18 = vector.broadcast %max3A : f32 to vector<400x256xf32>
    %max3A_19 = arith.maximumf %add3A_17, %max3A_18 : vector<400x256xf32>
    %swap3A = arith.constant 0 : index
    %swap3A_20 = arith.constant 0 : index
    %swap3A_21 = vector.load %arg6[%swap3A, %swap3A_20] : memref<400x256xf32, #tpu.memory_space<vmem>>, vector<400x256xf32>
    tpu.vector_store %arg6[%swap3A, %swap3A_20], %max3A_19 {strides = array<i32>} : memref<400x256xf32, #tpu.memory_space<vmem>>, vector<400x256xf32>,
    return
  }
  func.func @transform_0(%arg0: i32) -> (i32, i32) {
    %c0_i32 = arith.constant 0 : i32
    %c0_i32_0 = arith.constant 0 : i32
    return %arg0, %c0_i32 : i32, i32
  }
  func.func @transform_1(%arg0: i32) -> (i32, i32) {
    %c0_i32 = arith.constant 0 : i32
    %c0_i32_0 = arith.constant 0 : i32
    return %arg0, %c0_i32 : i32, i32
  }
  func.func @transform_2(%arg0: i32) -> (i32, i32) {
    %c0_i32 = arith.constant 0 : i32
    %c0_i32_0 = arith.constant 0 : i32
    return %arg0, %c0_i32 : i32, i32
  }
  func.func @transform_3(%arg0: i32) -> (i32, i32) {
    %c0_i32 = arith.constant 0 : i32
    %c0_i32_0 = arith.constant 0 : i32
    %c0_i32_1 = arith.constant 0 : i32
    return %c0_i32, %c0_i32_0 : i32, i32
  }
  func.func @transform_4(%arg0: i32) -> (i32, i32) {
    %c0_i32 = arith.constant 0 : i32
    %c0_i32_0 = arith.constant 0 : i32
    %c0_i32_1 = arith.constant 0 : i32
    return %c0_i32, %c0_i32_0 : i32, i32
  }
  func.func @transform_5(%arg0: i32) -> (i32, i32) {
    %c0_i32 = arith.constant 0 : i32
    %c0_i32_0 = arith.constant 0 : i32
    return %arg0, %c0_i32 : i32, i32
  }
}

</mosaic_0001>

<sc_bundles>
// kernel: kernel.5.cloned.1.call-start
scs
__scs_entry_jumppad:
0x0: {  	(pc) =	sbr.rel $0x88, $3  }
0x1: {  	(tag) =	ssettag $0x0;
	lr =	simm.s32 $0x1  }
0x2: {  	[smem:$0x3F9B] =	sst lr;
	_ =	strace $0xD0000000  }
0x3: {  	_ = 	snop  }
0x4: {  	_ = 	snop  }
0x5: {  	_ = 	snop  }
0x6: {  	_ = 	snop  }
0x7: {  	_ = 	snop  }
__scs_overlays_trampoline_lowered:
0x8: {  	[smem:$0x3FAA] =	sst s0  }
0x9: {  	[smem:$0x3FAB] =	sst s1  }
0xa: {  	[smem:$0x3FAC] =	sst s2  }
0xb: {  	[smem:$0x3FAD] =	sst s3  }
0xc: {  	[smem:$0x3FAE] =	sst s4  }
0xd: {  	[smem:$0x3FAF] =	sst s5  }
0xe: {  	[smem:$0x3FB0] =	sst s6  }
0xf: {  	[smem:$0x3FB1] =	sst s7  }
0x10: {  	[smem:$0x3FB2] =	sst s8  }
0x11: {  	[smem:$0x3FB3] =	sst s9;
	s0 =	simm.s32 @!p0 $0x0  }
0x12: {  	s1 =	sld [smem:$0x3F99];
	s0 =	simm.s32 @p0 $0x1  }
0x13: {  	[smem:$0x3FB4] =	sst s0;
	s0 =	simm.s32 @!p1 $0x0  }
0x14: {  	s2 =	sld [smem:$0x3F98];
	s0 =	simm.s32 @p1 $0x1  }
0x15: {  	[smem:$0x3FB5] =	sst s0;
	s0 =	simm.s32 @!p2 $0x0  }
0x16: {  	s3 =	sld [smem:$0x3FDB];
	s0 =	simm.s32 @p2 $0x1  }
0x17: {  	s4 =	simm.s32 $0x1BF5;
	[smem:$0x3FB7] =	sst s0  }
0x18: {  	s0 =	sld [smem:$0x3F9A];
	_ =	swait.ge [sflag:s4], $0x0  }
0x19: {  	s7 =	sld [smem:$0x3F9B]  }
0x1a: {  	s8 =	sadd.s32 $0xFFFFE003, lr  }
0x1b: {  	s9 =	sadd.s32 $0xFFFFFEF7, lr;
	s5 =	simm.s32 $0xFFFFFFFF;
	p2 =	slt.u32 s8, $0xFFFFF086  }
0x1c: {  	p1 =	slt.u32 s9, $0xF7A;
	s5 =	simm.s32 @!p2 $0x0  }
0x1d: {  	s5 =	simm.s32 @p1 $0x1;
	p0 =	seq.s32 s7, s2  }
0x1e: {  	s7 =	smul.u32 @!p0 $0xF7A, s2;
	p2 =	seq.s32 @!p0 s5, $0x0  }
0x1f: {  	s9 =	smul.u32 $0xF7A, s1;
	s8 =	simm.s32 @!p0 $0x1BF5;
	p2 =	por !p2, p0  }
0x20: {  	[sflag:s8] =	ssyncset.s32 @!p0 $0xFFFFF086;
	s6 =	sadd.s32 @!p0 s3, s7;
	s7 =	simm.s32 @!p0 $0x108  }
0x21: {  	s3 =	sadd.s32 s3, s9;
	s6 =	sadd.s32 @!p0 $0x88, s6;
	s7 =	simm.s32 @p2 $0x1082  }
0x22: {  	[simem:s7], [sflag:s8] =	dma.local @!p0 [hbm:s6], $0xF7A  }
0x23: {  	s9 =	sor.u32 $0xD0000000, s2;
	s6 =	simm.s32 $0x108;
	_ =	swait.ge @!p0 [sflag:s8], $0x0  }
0x24: {  	s3 =	sadd.s32 $0x88, s3;
	s6 =	simm.s32 @!p1 $0x1082;
	[sflag:s4] =	ssyncset.s32 $0xFFFFF086  }
0x25: {  	[simem:s6], [sflag:s4] =	dma.local [hbm:s3], $0xF7A  }
0x26: {  	[smem:$0x3F9B] =	sst s1;
	(tag) =	ssettag s2;
	_ =	strace s9  }
0x27: {  	s1 =	sld [smem:$0x3FAB]  }
0x28: {  	s2 =	sld [smem:$0x3FAC]  }
0x29: {  	s4 =	sld [smem:$0x3FAE]  }
0x2a: {  	p0 =	seq.s32 s5, $0x0;
	s5 =	sld [smem:$0x3FAF]  }
0x2b: {  	s6 =	sld [smem:$0x3FB0]  }
0x2c: {  	s7 =	sld [smem:$0x3FB1]  }
0x2d: {  	s3 =	simm.s32 $0x108;
	s8 =	sld [smem:$0x3FB2]  }
0x2e: {  	s3 =	simm.s32 @!p0 $0x1082;
	s9 =	sld [smem:$0x3FB3]  }
0x2f: {  	lr =	sadd.s32 s0, s3;
	s0 =	sld [smem:$0x3FAA]  }
0x30: {  	s3 =	sld [smem:$0x3FAD]  }
0x31: {  	[smem:$0x3FB6] =	sst s10  }
0x32: {  	s10 =	sld [smem:$0x3FB4];
	_ =	sdelay $0x3  }
0x33: {  	p0 =	seq.s32 s10, $0x1;
	s10 =	sld [smem:$0x3FB6];
	_ =	sdelay $0x3  }
0x34: {  	[smem:$0x3FB6] =	sst s10  }
0x35: {  	s10 =	sld [smem:$0x3FB5];
	_ =	sdelay $0x3  }
0x36: {  	p1 =	seq.s32 s10, $0x1;
	s10 =	sld [smem:$0x3FB6];
	_ =	sdelay $0x3  }
0x37: {  	[smem:$0x3FB6] =	sst s10  }
0x38: {  	s10 =	sld [smem:$0x3FB7]  }
0x39: {  	_ = 	snop;
	(pc) =	sbr.ind lr, $3  }
0x3a: {  	_ = 	snop  }
0x3b: {  	_ = 	snop  }
0x3c: {  	p2 =	seq.s32 s10, $0x1;
	s10 =	sld [smem:$0x3FB6]  }
0x3d: {  	_ =	shalt  }
0x3e: {  	_ =	shalt  }
0x3f: {  	_ =	shalt  }
0x40: {  	_ =	shalt  }
0x41: {  	_ =	shalt  }
0x42: {  	_ =	shalt  }
0x43: {  	_ =	shalt  }
0x44: {  	_ =	shalt  }
0x45: {  	_ =	shalt  }
0x46: {  	_ =	shalt  }
0x47: {  	_ =	shalt  }
0x48: {  	_ =	shalt  }
0x49: {  	_ =	shalt  }
0x4a: {  	_ =	shalt  }
0x4b: {  	_ =	shalt  }
0x4c: {  	_ =	shalt  }
0x4d: {  	_ =	shalt  }
0x4e: {  	_ =	shalt  }
0x4f: {  	_ =	shalt  }
0x50: {  	_ =	shalt  }
0x51: {  	_ =	shalt  }
0x52: {  	_ =	shalt  }
0x53: {  	_ =	shalt  }
0x54: {  	_ =	shalt  }
0x55: {  	_ =	shalt  }
0x56: {  	_ =	shalt  }
0x57: {  	_ =	shalt  }
0x58: {  	_ =	shalt  }
0x59: {  	_ =	shalt  }
0x5a: {  	_ =	shalt  }
0x5b: {  	_ =	shalt  }
0x5c: {  	_ =	shalt  }
0x5d: {  	_ =	shalt  }
0x5e: {  	_ =	shalt  }
0x5f: {  	_ =	shalt  }
0x60: {  	_ =	shalt  }
0x61: {  	_ =	shalt  }
0x62: {  	_ =	shalt  }
0x63: {  	_ =	shalt  }
0x64: {  	_ =	shalt  }
0x65: {  	_ =	shalt  }
0x66: {  	_ =	shalt  }
0x67: {  	_ =	shalt  }
0x68: {  	_ =	shalt  }
0x69: {  	_ =	shalt  }
0x6a: {  	_ =	shalt  }
0x6b: {  	_ =	shalt  }
0x6c: {  	_ =	shalt  }
0x6d: {  	_ =	shalt  }
0x6e: {  	_ =	shalt  }
0x6f: {  	_ =	shalt  }
0x70: {  	_ =	shalt  }
0x71: {  	_ =	shalt  }
0x72: {  	_ =	shalt  }
0x73: {  	_ =	shalt  }
0x74: {  	_ =	shalt  }
0x75: {  	_ =	shalt  }
0x76: {  	_ =	shalt  }
0x77: {  	_ =	shalt  }
0x78: {  	_ =	shalt  }
0x79: {  	_ =	shalt  }
0x7a: {  	_ =	shalt  }
0x7b: {  	_ =	shalt  }
0x7c: {  	_ =	shalt  }
0x7d: {  	_ =	shalt  }
0x7e: {  	_ =	shalt  }
0x7f: {  	_ =	shalt  }
0x80: {  	_ =	shalt  }
0x81: {  	_ =	shalt  }
0x82: {  	_ =	shalt  }
0x83: {  	_ =	shalt  }
0x84: {  	_ =	shalt  }
0x85: {  	_ =	shalt  }
0x86: {  	_ =	shalt  }
0x87: {  	_ =	shalt  }
.Lfunc_end0:
.L_simem_size_0:
called_computation_lowered:
.L_overlay_start_0:
0x88: {  	s2 =	sld [smem:$0x3FD9]  }
0x89: {  	s3 =	sld [smem:$0x3FFE];
	_ =	sdelay $0x1  }
0x8a: {  	s1 =	srdreg.scid  }
0x8b: {  	s0 =	sand.u32 $0x1, s1  }
0x8c: {  	s17 =	sshll.u32 s0, $0xA;
	s2 =	sadd.s32 s3, s2  }
0x8d: {  	s2 =	sadd.s32 s2, s17  }
0x8e: {  	[smem:$0x3FC2] =	sst s2  }
0x8f: {  	_ = 	snop  }
0x90: {  	s2 =	sld [smem:$0x3FD0];
	(tm) =	ssettm $0x1  }
0x91: {  	s18 =	sld [smem:$0x3FFB];
	_ =	sdelay $0x3  }
0x92: {  	_ =	strace s18  }
0x93: {  	s3 =	sld [smem:$0x3FFC];
	_ =	sdelay $0x3  }
0x94: {  	_ =	strace s3  }
0x95: {  	s3 =	sld [smem:$0x3FFD];
	_ =	sdelay $0x3  }
0x96: {  	_ =	strace s3  }
0x97: {  	_ =	strace $0x8FFFFFFF  }
0x98: {  	s19 =	sld [smem:$0x3FDB];
	_ =	sdelay $0x1  }
0x99: {  	s4 =	simm.s32 $_scs_section_size  }
0x9a: {  	s5 =	simm.s32 $_size__tile_overlayer_lowered;
	s6 =	simm.s32 $_tile_overlayer_lowered  }
0x9b: {  	s22 =	simm.s32 $0x1BFF;
	s21 =	sshll.u32 s6, $0x1;
	s3 =	sadd.s32 s4, s19  }
0x9c: {  	s7 =	simm.s32 $0x0;
	s20 =	sshll.u32 s5, $0x1;
	s5 =	sadd.s32 s21, s3  }
0x9d: {  	[timem:s7], [sflag:s22] =	dma.local [hbm:s5], s20  }
0x9e: {  	_ =	swait.ge [sflag:s22], s20  }
0x9f: {  	s4 =	ssub.s32 $0x0, s20;
	[sflag:s22] =	ssyncset.done $0x0  }
0xa0: {  	[sflag:s22] =	ssyncadd.s32 s4;
	_ =	sdelay $0x1  }
0xa1: {  	s23 =	simm.s32 $0x1B8B  }
0xa2: {  	_ =	swait.ge [sflag:s23], $0x1  }
0xa3: {  	[sflag:s23] =	ssyncset.done $0x0  }
0xa4: {  	s25 =	simm.s32 $0x1B8E;
	s24 =	sld [smem:$0x3FFE];
	[sflag:s23] =	ssyncadd.s32 $0xFFFFFFFF  }
0xa5: {  	s26 =	simm.s32 $execute0_lowered;
	[smem:$0x3FD2] =	sst s25  }
0xa6: {  	s5 =	sshll.u32 s26, $0x1;
	_ =	strace $0x80000046;
	[dreg:$0x1] =	wrdreg $0xFFFFFFFF  }
0xa7: {  	s28 =	simm.s32 $_size_execute0_lowered;
	s3 =	sadd.s32 s3, s5;
	[dreg:$0x0] =	wrdreg $0x0  }
0xa8: {  	s5 =	sshll.u32 s28, $0x1;
	[dreg:$0x2] =	wrdreg s3  }
0xa9: {  	[dreg:$0x3] =	wrdreg s5  }
0xaa: {  	[dreg:$0x4] =	wrdreg $0xC0  }
0xab: {  	_ =	task [dreg:s7], $0x5FFFF  }
0xac: {  	[dreg:$0x1] =	wrdreg $0xFFFFFFFF  }
0xad: {  	[dreg:$0x0] =	wrdreg $0x60  }
0xae: {  	[dreg:$0x2] =	wrdreg s24  }
0xaf: {  	[dreg:$0x3] =	wrdreg s2  }
0xb0: {  	[dreg:$0x4] =	wrdreg $0x0  }
0xb1: {  	[dreg:$0x5] =	wrdreg $0x9  }
0xb2: {  	_ =	task.clear_ibuf [dreg:s7], $0x6FFFF;
	_ =	strace $0x90000046  }
0xb3: {  	s29 =	simm.s32 $0x9;
	_ =	strace $0x80000048  }
0xb4: {  	_ =	swait.ge [sflag:s29], $0x1  }
0xb5: {  	[sflag:s29] =	ssyncadd.s32 $0xFFFFFFFF  }
0xb6: {  	_ =	strace $0x90000048  }
0xb7: {  	_ =	sfence  }
0xb8: {  	s30 =	sld [smem:$0x0];
	_ =	sdelay $0x2  }
0xb9: {  	s31 =	sshll.u32 s1, $0xD;
	s1 =	sshrl.u32 s1, $0x2  }
0xba: {  	s3 =	sand.u32 $0x4000, s31;
	s1 =	sadd.s32 s1, s30  }
0xbb: {  	s0 =	sor.u32 s3, s0;
	s1 =	sshll.u32 s1, $0x11  }
0xbc: {  	s0 =	sor.u32 s1, s0  }
0xbd: {  	s0 =	sadd.s32 $0x8F2B, s0  }
0xbe: {  	[sflag:s0] =	ssyncadd.remote.s32 $0x1  }
0xbf: {  	_ =	sfence.sel $0xFFFF  }
0xc0: {  	[dreg:$0x0] =	wrdreg $0xFFFFFFFF;
	(pc) =	sbr.abs _section_cstart, $3  }
0xc1: {  	[dreg:$0x1] =	wrdreg $0xFFFFFFFF  }
0xc2: {  	_ =	task.clear_ibuf [dreg:s7], $0x2FFFF;
	_ =	strace $0x9FFFFFFF  }
0xc3: {  	(tm) =	ssettm $0x7FFFFFFF  }
tec
execute0_lowered:
.L_overlay_start_1:
0x0: {  	(tag) =	ssettag $0x1  }
0x1: {  	s0 =	rddreg [dreg:$0x0]  }
0x2: {  	s3 =	rddreg [dreg:$0x1]  }
0x3: {  	s1 =	rddreg [dreg:$0x2]  }
0x4: {  	s2 =	simm.s32 $0x0;
	s8 =	srdreg.scid;
	s9 =	stileid.u32  }
0x5: {  	s28 =	simm.s32 $0x3;
	s29 =	simm.s32 $0x80;
	s30 =	simm.s32 $0x13E00  }
0x6: {  	s31 =	simm.s32 $0x13C80;
	[smem:$0x7FF] =	sst s2;
	s4 =	sadd.s32 $0x29000, s0  }
0x7: {  	s5 =	sadd.s32 $0x1E00, s0;
	s6 =	sadd.s32 $0x5A200, s0;
	s7 =	sadd.s32 $0x50200, s0  }
0x8: {  	s8 =	sand.u32 $0x1, s8;
	s10 =	smul.u32 $0x4F000, s9;
	s11 =	sadd.s32 $0x64200, s0  }
0x9: {  	s13 =	smul.u32 $0x2780, s9;
	s0 =	sadd.s32 $0x8BA00, s0;
	s24 =	sshll.u32 s9, $0x6  }
0xa: {  	_ =	strace $0x80000047;
	[dreg:$0x4] =	wrdreg s11;
	s12 =	ssub.s32 $0x2, s8  }
0xb: {  	[dreg:$0x6] =	wrdreg s0;
	s11 =	smul.u32 $0x5000, s9;
	p0 =	seq.s32 s8, $0x1  }
0xc: {  	s19 =	sor.u32 $0x1C05, s24;
	s24 =	simm.s32 $0x5;
	s15 =	sshrl.u32 s12, $0x1  }
0xd: {  	s16 =	sshrl.u32 s10, $0x2;
	[dreg:$0x5] =	wrdreg s13;
	s3 =	sadd.s32 s3, s13  }
0xe: {  	s10 =	simm.s32 $0x1;
	s13 =	simm.s32 $0x0;
	s0 =	ssub.s32 s12, s15  }
0xf: {  	s8 =	sadd.s32 s16, s1;
	[dreg:$0x8] =	wrdreg s3;
	s17 =	sshrl.u32 s11, $0x3  }
0x10: {  	s3 =	simm.s32 $0x4;
	s12 =	simm.s32 $0x2;
	[dreg:$0x7] =	wrdreg s8  }
0x11: {  	s20 =	sadd.s32 s6, s17;
	s21 =	sadd.s32 s7, s17;
	s22 =	sor.u32 $0x10, s17  }
0x12: {  	s18 =	smax.u32 s0, $0x1;
	s25 =	sadd.s32 $0x9E0, s17;
	s26 =	sadd.s32 $0x9F0, s17  }
.Ltmp0:
0x13: {  	s0 =	simm.s32 $0x13D80;
	[dreg:$0x9] =	wrdreg s20;
	(pc) =	sbr.rel .LBB2_1-.Ltmp0, $4  }
0x14: {  	[dreg:$0xa] =	wrdreg s21;
	s23 =	sadd.s32 s6, s22;
	s8 =	sadd.s32 s7, s22  }
0x15: {  	s20 =	sadd.s32 s6, s25;
	s21 =	sadd.s32 s7, s25;
	[dreg:$0xb] =	wrdreg s23  }
0x16: {  	s22 =	sadd.s32 s6, s26;
	s25 =	simm.s32 $0x13C00;
	[dreg:$0xc] =	wrdreg s8  }
0x17: {  	s23 =	sadd.s32 s7, s26;
	s26 =	simm.s32 $0x13D00;
	s8 =	simm.s32 $0x17E00  }
.LBB2_7:
0x18: {  	[tilespmem:s0], [sflag:$0x4] =	stream.linear.gather [hbm4b:s17+s2], $0x80, $0x38;
	[tilespmem:$0x1BE00] =	vst v63  }
0x19: {  	_ =	swait.ge [sflag:s3], $0x80  }
0x1a: {  	[sflag:s3] =	ssyncset.done $0x0  }
0x1b: {  	[sflag:s3] =	ssyncadd.s32 $0xFFFFFF80  }
0x1c: {  	_ =	swait.ge [sflag:s3], $0x80  }
0x1d: {  	[sflag:s3] =	ssyncset.done $0x0  }
0x1e: {  	[sflag:s3] =	ssyncadd.s32 $0xFFFFFF80  }
0x1f: {  	[tilespmem:s8], [sflag:$0x2] =	stream.indirect.gather [hbm4b:s5+s29], $0x80, s31, s29, $0xb8;
	[tilespmem:$0x1BE00] =	vst v63  }
0x20: {  	_ =	swait.ge [sflag:s10], $0x4000  }
0x21: {  	[sflag:s10] =	ssyncset.done $0x0  }
0x22: {  	[sflag:s10] =	ssyncadd.s32 $0xFFFFC000  }
0x23: {  	[spmem:s1] =	stream.indirect.scatter.add.f32 [tilespmem:s30], [sflag:$0x5], $0x80, s26, s29, $0xb8;
	[tilespmem:$0x1BE00] =	vst v63  }
0x24: {  	_ =	swait.ge [sflag:s24], $0x4000  }
0x25: {  	[sflag:s24] =	ssyncset.done $0x0  }
0x26: {  	[sflag:s24] =	ssyncadd.s32 $0xFFFFC000  }
0x27: {  	[tilespmem:s25], [sflag:$0x3] =	stream.linear.gather [hbm4b:s20+s2], $0x80, $0x38;
	[tilespmem:$0x1BE00] =	vst v63  }
0x28: {  	_ = 	snop  }
0x29: {  	[tilespmem:s26], [sflag:$0x3] =	stream.linear.gather [hbm4b:s21+s2], $0x80, $0x38;
	[tilespmem:$0x1BE00] =	vst v63  }
0x2a: {  	_ =	swait.ge [sflag:s28], $0x80  }
0x2b: {  	[sflag:s28] =	ssyncset.done $0x0  }
0x2c: {  	[sflag:s28] =	ssyncadd.s32 $0xFFFFFF80  }
0x2d: {  	_ =	swait.ge [sflag:s28], $0x80  }
0x2e: {  	[sflag:s28] =	ssyncset.done $0x0  }
0x2f: {  	[sflag:s28] =	ssyncadd.s32 $0xFFFFFF80  }
0x30: {  	[tilespmem:s30], [sflag:$0x1] =	stream.indirect.gather [hbm4b:s5+s29], $0x80, s25, s29, $0xb8;
	[tilespmem:$0x1BE00] =	vst v63  }
0x31: {  	_ =	swait.ge [sflag:s12], $0x4000  }
0x32: {  	[sflag:s12] =	ssyncset.done $0x0  }
0x33: {  	[sflag:s12] =	ssyncadd.s32 $0xFFFFC000  }
0x34: {  	[spmem:s1] =	stream.indirect.scatter.add.f32 [tilespmem:s8], [sflag:$0x5], $0x80, s0, s29, $0xb8;
	[tilespmem:$0x1BE00] =	vst v63  }
0x35: {  	_ =	swait.ge [sflag:s24], $0x4000  }
0x36: {  	[sflag:s24] =	ssyncset.done $0x0  }
0x37: {  	[sflag:s24] =	ssyncadd.s32 $0xFFFFC000  }
0x38: {  	[tilespmem:s31], [sflag:$0x4] =	stream.linear.gather [hbm4b:s22+s2], $0x80, $0x38;
	[tilespmem:$0x1BE00] =	vst v63  }
0x39: {  	s16 =	smov.u32 s5;
	s15 =	rddreg [dreg:$0x6]  }
0x3a: {  	[tilespmem:s0], [sflag:$0x4] =	stream.linear.gather [hbm4b:s23+s2], $0x80, $0x38;
	[tilespmem:$0x1BE00] =	vst v63  }
.LBB2_8:
0x3b: {  	_ =	swait.ge [sflag:s3], $0x80  }
0x3c: {  	[sflag:s3] =	ssyncset.done $0x0  }
0x3d: {  	[sflag:s3] =	ssyncadd.s32 $0xFFFFFF80  }
0x3e: {  	_ =	swait.ge [sflag:s3], $0x80  }
0x3f: {  	[sflag:s3] =	ssyncset.done $0x0  }
0x40: {  	[sflag:s3] =	ssyncadd.s32 $0xFFFFFF80  }
0x41: {  	[tilespmem:s8], [sflag:$0x2] =	stream.indirect.gather [hbm4b:s16+s29], $0x80, s31, s29, $0xb8;
	[tilespmem:$0x1BE00] =	vst v63  }
0x42: {  	_ =	swait.ge [sflag:s10], $0x4000  }
0x43: {  	[sflag:s10] =	ssyncset.done $0x0  }
0x44: {  	[sflag:s10] =	ssyncadd.s32 $0xFFFFC000  }
0x45: {  	[spmem:s1] =	stream.indirect.scatter.add.f32 [tilespmem:s30], [sflag:$0x5], $0x80, s26, s29, $0xb8;
	[tilespmem:$0x1BE00] =	vst v63  }
0x46: {  	_ =	swait.ge [sflag:s24], $0x4000  }
0x47: {  	[sflag:s24] =	ssyncset.done $0x0  }
0x48: {  	[sflag:s24] =	ssyncadd.s32 $0xFFFFC000  }
0x49: {  	[tilespmem:s25], [sflag:$0x3] =	stream.linear.gather [hbm4b:s22+s2], $0x80, $0x38;
	[tilespmem:$0x1BE00] =	vst v63  }
0x4a: {  	_ = 	snop  }
0x4b: {  	[tilespmem:s26], [sflag:$0x3] =	stream.linear.gather [hbm4b:s23+s2], $0x80, $0x38;
	[tilespmem:$0x1BE00] =	vst v63  }
0x4c: {  	_ =	swait.ge [sflag:s28], $0x80  }
0x4d: {  	[sflag:s28] =	ssyncset.done $0x0  }
0x4e: {  	[sflag:s28] =	ssyncadd.s32 $0xFFFFFF80  }
0x4f: {  	_ =	swait.ge [sflag:s28], $0x80  }
0x50: {  	[sflag:s28] =	ssyncset.done $0x0  }
0x51: {  	[sflag:s28] =	ssyncadd.s32 $0xFFFFFF80  }
0x52: {  	[tilespmem:s30], [sflag:$0x1] =	stream.indirect.gather [hbm4b:s16+s29], $0x80, s25, s29, $0xb8;
	[tilespmem:$0x1BE00] =	vst v63  }
0x53: {  	_ =	swait.ge [sflag:s12], $0x4000  }
0x54: {  	[sflag:s12] =	ssyncset.done $0x0  }
0x55: {  	[sflag:s12] =	ssyncadd.s32 $0xFFFFC000  }
0x56: {  	[spmem:s1] =	stream.indirect.scatter.add.f32 [tilespmem:s8], [sflag:$0x5], $0x80, s0, s29, $0xb8;
	[tilespmem:$0x1BE00] =	vst v63  }
0x57: {  	_ =	swait.ge [sflag:s24], $0x4000  }
0x58: {  	[sflag:s24] =	ssyncset.done $0x0  }
0x59: {  	[sflag:s24] =	ssyncadd.s32 $0xFFFFC000  }
0x5a: {  	[tilespmem:s31], [sflag:$0x4] =	stream.linear.gather [hbm4b:s22+s2], $0x80, $0x38;
	[tilespmem:$0x1BE00] =	vst v63  }
0x5b: {  	_ = 	snop  }
0x5c: {  	[tilespmem:s0], [sflag:$0x4] =	stream.linear.gather [hbm4b:s23+s2], $0x80, $0x38;
	[tilespmem:$0x1BE00] =	vst v63  }
0x5d: {  	_ =	swait.ge [sflag:s10], $0x4000  }
0x5e: {  	[sflag:s10] =	ssyncset.done $0x0  }
0x5f: {  	[sflag:s10] =	ssyncadd.s32 $0xFFFFC000  }
0x60: {  	_ =	swait.ge [sflag:s3], $0x80  }
0x61: {  	[sflag:s3] =	ssyncset.done $0x0  }
0x62: {  	[sflag:s3] =	ssyncadd.s32 $0xFFFFFF80  }
0x63: {  	_ =	swait.ge [sflag:s3], $0x80  }
0x64: {  	s13 =	sadd.s32 $0x1, s13;
	[sflag:s3] =	ssyncset.done $0x0  }
0x65: {  	p1 =	sne.s32 s13, s18;
	s9 =	rddreg [dreg:$0x5];
	[sflag:s3] =	ssyncadd.s32 $0xFFFFFF80  }
.Ltmp1:
0x66: {  	s9 =	sadd.s32 s15, s9;
	[bflag:$0x0] =	sbarrier.arrive $0xFFFF;
	(pc) =	sbr.rel @!p1 .LBB2_9-.Ltmp1, $4  }
0x67: {  	[hbm:s9], [sflag:s19] =	dma.local [spmem:s14], $0x2780  }
0x68: {  	_ =	swait.ge [sflag:s24], $0x2780  }
0x69: {  	[sflag:s24] =	ssyncset.done $0x0  }
0x6a: {  	[sflag:s24] =	ssyncadd.s32 $0xFFFFD880  }
.LBB2_1:
0x6b: {  	s9 =	rddreg [dreg:$0x7]  }
0x6c: {  	s15 =	rddreg [dreg:$0x8];
	s14 =	sshrl.u32 s9, $0x3  }
0x6d: {  	[spmem:s14], [sflag:s19] =	dma.local [hbm:s15], $0x2780  }
0x6e: {  	_ =	swait.ge [sflag:s24], $0x2780  }
0x6f: {  	[sflag:s24] =	ssyncset.done $0x0  }
0x70: {  	[sflag:s24] =	ssyncadd.s32 $0xFFFFD880  }
0x71: {  	[bflag:$0x0] =	sbarrier.arrive $0xFFFF  }
0x72: {  	s16 =	rddreg [dreg:$0x9]  }
0x73: {  	[tilespmem:s25], [sflag:$0x3] =	stream.linear.gather [hbm4b:s16+s2], $0x80, $0x38;
	[tilespmem:$0x1BE00] =	vst v63  }
0x74: {  	s17 =	rddreg [dreg:$0xa]  }
0x75: {  	[tilespmem:s26], [sflag:$0x3] =	stream.linear.gather [hbm4b:s17+s2], $0x80, $0x38;
	[tilespmem:$0x1BE00] =	vst v63  }
0x76: {  	_ =	swait.ge [sflag:s28], $0x80  }
.Ltmp2:
0x77: {  	[sflag:s28] =	ssyncset.done $0x0;
	(pc) =	sbr.rel @!p0 .LBB2_2-.Ltmp2, $4  }
0x78: {  	[sflag:s28] =	ssyncadd.s32 $0xFFFFFF80  }
0x79: {  	_ =	swait.ge [sflag:s28], $0x80  }
0x7a: {  	[sflag:s28] =	ssyncset.done $0x0  }
0x7b: {  	[sflag:s28] =	ssyncadd.s32 $0xFFFFFF80  }
0x7c: {  	[tilespmem:s30], [sflag:$0x1] =	stream.indirect.gather [hbm4b:s5+s29], $0x80, s25, s29, $0xb8;
	[tilespmem:$0x1BE00] =	vst v63  }
0x7d: {  	s9 =	rddreg [dreg:$0xb]  }
0x7e: {  	[tilespmem:s31], [sflag:$0x4] =	stream.linear.gather [hbm4b:s9+s2], $0x80, $0x38;
	[tilespmem:$0x1BE00] =	vst v63  }
0x7f: {  	s16 =	rddreg [dreg:$0xc]  }
0x80: {  	[tilespmem:s0], [sflag:$0x4] =	stream.linear.gather [hbm4b:s16+s2], $0x80, $0x38;
	[tilespmem:$0x1BE00] =	vst v63  }
0x81: {  	_ =	swait.ge [sflag:s3], $0x80  }
0x82: {  	[sflag:s3] =	ssyncset.done $0x0  }
0x83: {  	[sflag:s3] =	ssyncadd.s32 $0xFFFFFF80  }
0x84: {  	_ =	swait.ge [sflag:s3], $0x80  }
0x85: {  	[sflag:s3] =	ssyncset.done $0x0  }
0x86: {  	[sflag:s3] =	ssyncadd.s32 $0xFFFFFF80  }
0x87: {  	[tilespmem:s8], [sflag:$0x2] =	stream.indirect.gather [hbm4b:s5+s29], $0x80, s31, s29, $0xb8;
	[tilespmem:$0x1BE00] =	vst v63  }
0x88: {  	s17 =	simm.s32 $0x100;
	_ =	swait.ge [sflag:s10], $0x4000  }
0x89: {  	s15 =	sand.u32 $0xFC00, s17;
	[sflag:s10] =	ssyncset.done $0x0  }
0x8a: {  	s9 =	sand.u32 $0x300, s17;
	s15 =	sadd.s32 s11, s15;
	[sflag:s10] =	ssyncadd.s32 $0xFFFFC000  }
0x8b: {  	[spmem:s1] =	stream.indirect.scatter.add.f32 [tilespmem:s30], [sflag:$0x5], $0x80, s26, s29, $0xb8;
	[tilespmem:$0x1BE00] =	vst v63  }
0x8c: {  	s9 =	sor.u32 s9, s15;
	_ =	swait.ge [sflag:s24], $0x4000  }
0x8d: {  	s9 =	sshrl.u32 s9, $0x3;
	[sflag:s24] =	ssyncset.done $0x0  }
0x8e: {  	s16 =	sadd.s32 s6, s9;
	[sflag:s24] =	ssyncadd.s32 $0xFFFFC000  }
0x8f: {  	[tilespmem:s25], [sflag:$0x3] =	stream.linear.gather [hbm4b:s16+s2], $0x80, $0x38;
	[tilespmem:$0x1BE00] =	vst v63  }
0x90: {  	s9 =	sadd.s32 s7, s9  }
0x91: {  	[tilespmem:s26], [sflag:$0x3] =	stream.linear.gather [hbm4b:s9+s2], $0x80, $0x38;
	[tilespmem:$0x1BE00] =	vst v63  }
0x92: {  	_ =	swait.ge [sflag:s28], $0x80  }
0x93: {  	[sflag:s28] =	ssyncset.done $0x0  }
0x94: {  	[sflag:s28] =	ssyncadd.s32 $0xFFFFFF80  }
0x95: {  	_ =	swait.ge [sflag:s28], $0x80  }
0x96: {  	[sflag:s28] =	ssyncset.done $0x0  }
0x97: {  	[sflag:s28] =	ssyncadd.s32 $0xFFFFFF80  }
0x98: {  	[tilespmem:s30], [sflag:$0x1] =	stream.indirect.gather [hbm4b:s5+s29], $0x80, s25, s29, $0xb8;
	[tilespmem:$0x1BE00] =	vst v63  }
0x99: {  	s17 =	simm.s32 $0x180;
	_ =	swait.ge [sflag:s12], $0x4000  }
0x9a: {  	s16 =	sand.u32 $0xFC00, s17;
	[sflag:s12] =	ssyncset.done $0x0  }
0x9b: {  	s15 =	sadd.s32 s11, s16;
	s9 =	sand.u32 $0x380, s17;
	[sflag:s12] =	ssyncadd.s32 $0xFFFFC000  }
0x9c: {  	[spmem:s1] =	stream.indirect.scatter.add.f32 [tilespmem:s8], [sflag:$0x5], $0x80, s0, s29, $0xb8;
	[tilespmem:$0x1BE00] =	vst v63  }
0x9d: {  	s9 =	sor.u32 s9, s15;
	_ =	swait.ge [sflag:s24], $0x4000  }
0x9e: {  	s9 =	sshrl.u32 s9, $0x3;
	[sflag:s24] =	ssyncset.done $0x0  }
0x9f: {  	s17 =	sadd.s32 s6, s9;
	[sflag:s24] =	ssyncadd.s32 $0xFFFFC000  }
0xa0: {  	[tilespmem:s31], [sflag:$0x4] =	stream.linear.gather [hbm4b:s17+s2], $0x80, $0x38;
	[tilespmem:$0x1BE00] =	vst v63  }
0xa1: {  	s15 =	simm.s32 $0x280;
	s17 =	sadd.s32 s7, s9  }
.LBB2_6:
0xa2: {  	p1 =	sne.s32 s15, $0x4E80;
	s16 =	smov.u32 s15;
	s15 =	sadd.s32 $0x100, s15  }
0xa3: {  	[tilespmem:s0], [sflag:$0x4] =	stream.linear.gather [hbm4b:s17+s2], $0x80, $0x38;
	[tilespmem:$0x1BE00] =	vst v63  }
0xa4: {  	_ =	swait.ge [sflag:s3], $0x80  }
0xa5: {  	[sflag:s3] =	ssyncset.done $0x0  }
0xa6: {  	[sflag:s3] =	ssyncadd.s32 $0xFFFFFF80  }
0xa7: {  	_ =	swait.ge [sflag:s3], $0x80  }
0xa8: {  	[sflag:s3] =	ssyncset.done $0x0  }
0xa9: {  	[sflag:s3] =	ssyncadd.s32 $0xFFFFFF80  }
0xaa: {  	[tilespmem:s8], [sflag:$0x2] =	stream.indirect.gather [hbm4b:s5+s29], $0x80, s31, s29, $0xb8;
	[tilespmem:$0x1BE00] =	vst v63  }
0xab: {  	_ =	swait.ge [sflag:s10], $0x4000  }
0xac: {  	s9 =	sadd.s32 $0xFFFFFF80, s16;
	[sflag:s10] =	ssyncset.done $0x0  }
0xad: {  	s17 =	sand.u32 $0xFC00, s9;
	s9 =	sand.u32 $0x300, s9;
	[sflag:s10] =	ssyncadd.s32 $0xFFFFC000  }
0xae: {  	[spmem:s1] =	stream.indirect.scatter.add.f32 [tilespmem:s30], [sflag:$0x5], $0x80, s26, s29, $0xb8;
	[tilespmem:$0x1BE00] =	vst v63  }
0xaf: {  	s17 =	sadd.s32 s11, s17;
	_ =	swait.ge [sflag:s24], $0x4000  }
0xb0: {  	s9 =	sor.u32 s9, s17;
	[sflag:s24] =	ssyncset.done $0x0  }
0xb1: {  	s9 =	sshrl.u32 s9, $0x3;
	[sflag:s24] =	ssyncadd.s32 $0xFFFFC000  }
0xb2: {  	s17 =	sadd.s32 s6, s9;
	s9 =	sadd.s32 s7, s9  }
0xb3: {  	[tilespmem:s25], [sflag:$0x3] =	stream.linear.gather [hbm4b:s17+s2], $0x80, $0x38;
	[tilespmem:$0x1BE00] =	vst v63  }
0xb4: {  	_ = 	snop  }
0xb5: {  	[tilespmem:s26], [sflag:$0x3] =	stream.linear.gather [hbm4b:s9+s2], $0x80, $0x38;
	[tilespmem:$0x1BE00] =	vst v63  }
0xb6: {  	_ =	swait.ge [sflag:s28], $0x80  }
0xb7: {  	[sflag:s28] =	ssyncset.done $0x0  }
0xb8: {  	[sflag:s28] =	ssyncadd.s32 $0xFFFFFF80  }
0xb9: {  	_ =	swait.ge [sflag:s28], $0x80  }
0xba: {  	[sflag:s28] =	ssyncset.done $0x0  }
0xbb: {  	[sflag:s28] =	ssyncadd.s32 $0xFFFFFF80  }
0xbc: {  	[tilespmem:s30], [sflag:$0x1] =	stream.indirect.gather [hbm4b:s5+s29], $0x80, s25, s29, $0xb8;
	[tilespmem:$0x1BE00] =	vst v63  }
0xbd: {  	_ =	swait.ge [sflag:s12], $0x4000  }
0xbe: {  	s9 =	sand.u32 $0xFC00, s16;
	[sflag:s12] =	ssyncset.done $0x0  }
0xbf: {  	s16 =	sand.u32 $0x380, s16;
	s9 =	sadd.s32 s11, s9;
	[sflag:s12] =	ssyncadd.s32 $0xFFFFC000  }
0xc0: {  	[spmem:s1] =	stream.indirect.scatter.add.f32 [tilespmem:s8], [sflag:$0x5], $0x80, s0, s29, $0xb8;
	[tilespmem:$0x1BE00] =	vst v63  }
.Ltmp3:
0xc1: {  	_ = 	snop;
	(pc) =	sbr.rel @p1 .LBB2_6-.Ltmp3, $4  }
0xc2: {  	s9 =	sor.u32 s16, s9;
	_ =	swait.ge [sflag:s24], $0x4000  }
0xc3: {  	s9 =	sshrl.u32 s9, $0x3;
	[sflag:s24] =	ssyncset.done $0x0  }
0xc4: {  	s16 =	sadd.s32 s6, s9;
	s17 =	sadd.s32 s7, s9;
	[sflag:s24] =	ssyncadd.s32 $0xFFFFC000  }
0xc5: {  	[tilespmem:s31], [sflag:$0x4] =	stream.linear.gather [hbm4b:s16+s2], $0x80, $0x38;
	[tilespmem:$0x1BE00] =	vst v63  }
.Ltmp4:
0xc6: {  	_ = 	snop;
	(pc) =	sbr.rel .LBB2_7-.Ltmp4, $1  }
0xc7: {  	_ =	sdelay $0x3  }
.LBB2_2:
0xc8: {  	[tilespmem:s30], [sflag:$0x1] =	stream.indirect.gather [hbm4b:s4+s29], $0x80, s25, s29, $0xb8;
	[tilespmem:$0x1BE00] =	vst v63  }
0xc9: {  	s9 =	rddreg [dreg:$0xb]  }
0xca: {  	[tilespmem:s31], [sflag:$0x4] =	stream.linear.gather [hbm4b:s9+s2], $0x80, $0x38;
	[tilespmem:$0x1BE00] =	vst v63  }
0xcb: {  	s16 =	rddreg [dreg:$0xc]  }
0xcc: {  	[tilespmem:s0], [sflag:$0x4] =	stream.linear.gather [hbm4b:s16+s2], $0x80, $0x38;
	[tilespmem:$0x1BE00] =	vst v63  }
0xcd: {  	_ =	swait.ge [sflag:s3], $0x80  }
0xce: {  	[sflag:s3] =	ssyncset.done $0x0  }
0xcf: {  	[sflag:s3] =	ssyncadd.s32 $0xFFFFFF80  }
0xd0: {  	_ =	swait.ge [sflag:s3], $0x80  }
0xd1: {  	[sflag:s3] =	ssyncset.done $0x0  }
0xd2: {  	[sflag:s3] =	ssyncadd.s32 $0xFFFFFF80  }
0xd3: {  	[tilespmem:s8], [sflag:$0x2] =	stream.indirect.gather [hbm4b:s4+s29], $0x80, s31, s29, $0xb8;
	[tilespmem:$0x1BE00] =	vst v63  }
0xd4: {  	s15 =	simm.s32 $0x100;
	_ =	swait.ge [sflag:s10], $0x4000  }
0xd5: {  	s16 =	sand.u32 $0xFC00, s15;
	[sflag:s10] =	ssyncset.done $0x0  }
0xd6: {  	s15 =	sand.u32 $0x300, s15;
	s16 =	sadd.s32 s11, s16;
	[sflag:s10] =	ssyncadd.s32 $0xFFFFC000  }
0xd7: {  	[spmem:s1] =	stream.indirect.scatter.add.f32 [tilespmem:s30], [sflag:$0x5], $0x80, s26, s29, $0xb8;
	[tilespmem:$0x1BE00] =	vst v63  }
0xd8: {  	s15 =	sor.u32 s15, s16;
	_ =	swait.ge [sflag:s24], $0x4000  }
0xd9: {  	s15 =	sshrl.u32 s15, $0x3;
	[sflag:s24] =	ssyncset.done $0x0  }
0xda: {  	s17 =	sadd.s32 s6, s15;
	[sflag:s24] =	ssyncadd.s32 $0xFFFFC000  }
0xdb: {  	[tilespmem:s25], [sflag:$0x3] =	stream.linear.gather [hbm4b:s17+s2], $0x80, $0x38;
	[tilespmem:$0x1BE00] =	vst v63  }
0xdc: {  	s15 =	sadd.s32 s7, s15  }
0xdd: {  	[tilespmem:s26], [sflag:$0x3] =	stream.linear.gather [hbm4b:s15+s2], $0x80, $0x38;
	[tilespmem:$0x1BE00] =	vst v63  }
0xde: {  	_ =	swait.ge [sflag:s28], $0x80  }
0xdf: {  	[sflag:s28] =	ssyncset.done $0x0  }
0xe0: {  	[sflag:s28] =	ssyncadd.s32 $0xFFFFFF80  }
0xe1: {  	_ =	swait.ge [sflag:s28], $0x80  }
0xe2: {  	[sflag:s28] =	ssyncset.done $0x0  }
0xe3: {  	[sflag:s28] =	ssyncadd.s32 $0xFFFFFF80  }
0xe4: {  	[tilespmem:s30], [sflag:$0x1] =	stream.indirect.gather [hbm4b:s4+s29], $0x80, s25, s29, $0xb8;
	[tilespmem:$0x1BE00] =	vst v63  }
0xe5: {  	s9 =	simm.s32 $0x180;
	_ =	swait.ge [sflag:s12], $0x4000  }
0xe6: {  	s17 =	sand.u32 $0xFC00, s9;
	[sflag:s12] =	ssyncset.done $0x0  }
0xe7: {  	s16 =	sadd.s32 s11, s17;
	s15 =	sand.u32 $0x380, s9;
	[sflag:s12] =	ssyncadd.s32 $0xFFFFC000  }
0xe8: {  	[spmem:s1] =	stream.indirect.scatter.add.f32 [tilespmem:s8], [sflag:$0x5], $0x80, s0, s29, $0xb8;
	[tilespmem:$0x1BE00] =	vst v63  }
0xe9: {  	s15 =	sor.u32 s15, s16;
	_ =	swait.ge [sflag:s24], $0x4000  }
0xea: {  	s16 =	sshrl.u32 s15, $0x3;
	[sflag:s24] =	ssyncset.done $0x0  }
0xeb: {  	s15 =	sadd.s32 s6, s16;
	[sflag:s24] =	ssyncadd.s32 $0xFFFFC000  }
0xec: {  	[tilespmem:s31], [sflag:$0x4] =	stream.linear.gather [hbm4b:s15+s2], $0x80, $0x38;
	[tilespmem:$0x1BE00] =	vst v63  }
0xed: {  	s17 =	sadd.s32 s7, s16;
	s15 =	simm.s32 $0x280  }
.LBB2_3:
0xee: {  	p1 =	seq.s32 s15, $0x4E80;
	s16 =	smov.u32 s15;
	s15 =	sadd.s32 $0x100, s15  }
0xef: {  	[tilespmem:s0], [sflag:$0x4] =	stream.linear.gather [hbm4b:s17+s2], $0x80, $0x38;
	[tilespmem:$0x1BE00] =	vst v63  }
0xf0: {  	_ =	swait.ge [sflag:s3], $0x80  }
0xf1: {  	[sflag:s3] =	ssyncset.done $0x0  }
0xf2: {  	[sflag:s3] =	ssyncadd.s32 $0xFFFFFF80  }
0xf3: {  	_ =	swait.ge [sflag:s3], $0x80  }
0xf4: {  	[sflag:s3] =	ssyncset.done $0x0  }
0xf5: {  	[sflag:s3] =	ssyncadd.s32 $0xFFFFFF80  }
0xf6: {  	[tilespmem:s8], [sflag:$0x2] =	stream.indirect.gather [hbm4b:s4+s29], $0x80, s31, s29, $0xb8;
	[tilespmem:$0x1BE00] =	vst v63  }
0xf7: {  	_ =	swait.ge [sflag:s10], $0x4000  }
0xf8: {  	s17 =	sadd.s32 $0xFFFFFF80, s16;
	[sflag:s10] =	ssyncset.done $0x0  }
0xf9: {  	s9 =	sand.u32 $0xFC00, s17;
	s17 =	sand.u32 $0x300, s17;
	[sflag:s10] =	ssyncadd.s32 $0xFFFFC000  }
0xfa: {  	[spmem:s1] =	stream.indirect.scatter.add.f32 [tilespmem:s30], [sflag:$0x5], $0x80, s26, s29, $0xb8;
	[tilespmem:$0x1BE00] =	vst v63  }
0xfb: {  	s9 =	sadd.s32 s11, s9;
	_ =	swait.ge [sflag:s24], $0x4000  }
0xfc: {  	s9 =	sor.u32 s17, s9;
	[sflag:s24] =	ssyncset.done $0x0  }
0xfd: {  	s9 =	sshrl.u32 s9, $0x3;
	[sflag:s24] =	ssyncadd.s32 $0xFFFFC000  }
0xfe: {  	s17 =	sadd.s32 s6, s9;
	s9 =	sadd.s32 s7, s9  }
0xff: {  	[tilespmem:s25], [sflag:$0x3] =	stream.linear.gather [hbm4b:s17+s2], $0x80, $0x38;
	[tilespmem:$0x1BE00] =	vst v63  }
0x100: {  	_ = 	snop  }
0x101: {  	[tilespmem:s26], [sflag:$0x3] =	stream.linear.gather [hbm4b:s9+s2], $0x80, $0x38;
	[tilespmem:$0x1BE00] =	vst v63  }
0x102: {  	_ =	swait.ge [sflag:s28], $0x80  }
0x103: {  	[sflag:s28] =	ssyncset.done $0x0  }
0x104: {  	[sflag:s28] =	ssyncadd.s32 $0xFFFFFF80  }
0x105: {  	_ =	swait.ge [sflag:s28], $0x80  }
0x106: {  	[sflag:s28] =	ssyncset.done $0x0  }
0x107: {  	[sflag:s28] =	ssyncadd.s32 $0xFFFFFF80  }
0x108: {  	[tilespmem:s30], [sflag:$0x1] =	stream.indirect.gather [hbm4b:s4+s29], $0x80, s25, s29, $0xb8;
	[tilespmem:$0x1BE00] =	vst v63  }
0x109: {  	_ =	swait.ge [sflag:s12], $0x4000  }
0x10a: {  	s9 =	sand.u32 $0xFC00, s16;
	[sflag:s12] =	ssyncset.done $0x0  }
0x10b: {  	s16 =	sand.u32 $0x380, s16;
	s9 =	sadd.s32 s11, s9;
	[sflag:s12] =	ssyncadd.s32 $0xFFFFC000  }
0x10c: {  	[spmem:s1] =	stream.indirect.scatter.add.f32 [tilespmem:s8], [sflag:$0x5], $0x80, s0, s29, $0xb8;
	[tilespmem:$0x1BE00] =	vst v63  }
.Ltmp5:
0x10d: {  	_ = 	snop;
	(pc) =	sbr.rel @!p1 .LBB2_3-.Ltmp5, $4  }
0x10e: {  	s9 =	sor.u32 s16, s9;
	_ =	swait.ge [sflag:s24], $0x4000  }
0x10f: {  	s9 =	sshrl.u32 s9, $0x3;
	[sflag:s24] =	ssyncset.done $0x0  }
0x110: {  	s16 =	sadd.s32 s6, s9;
	s17 =	sadd.s32 s7, s9;
	[sflag:s24] =	ssyncadd.s32 $0xFFFFC000  }
0x111: {  	[tilespmem:s31], [sflag:$0x4] =	stream.linear.gather [hbm4b:s16+s2], $0x80, $0x38;
	[tilespmem:$0x1BE00] =	vst v63  }
0x112: {  	[tilespmem:s0], [sflag:$0x4] =	stream.linear.gather [hbm4b:s17+s2], $0x80, $0x38;
	[tilespmem:$0x1BE00] =	vst v63  }
0x113: {  	_ =	swait.ge [sflag:s3], $0x80  }
0x114: {  	[sflag:s3] =	ssyncset.done $0x0  }
0x115: {  	[sflag:s3] =	ssyncadd.s32 $0xFFFFFF80  }
0x116: {  	_ =	swait.ge [sflag:s3], $0x80  }
0x117: {  	[sflag:s3] =	ssyncset.done $0x0  }
0x118: {  	[sflag:s3] =	ssyncadd.s32 $0xFFFFFF80  }
0x119: {  	[tilespmem:s8], [sflag:$0x2] =	stream.indirect.gather [hbm4b:s4+s29], $0x80, s31, s29, $0xb8;
	[tilespmem:$0x1BE00] =	vst v63  }
0x11a: {  	_ =	swait.ge [sflag:s10], $0x4000  }
0x11b: {  	[sflag:s10] =	ssyncset.done $0x0  }
0x11c: {  	[sflag:s10] =	ssyncadd.s32 $0xFFFFC000  }
0x11d: {  	[spmem:s1] =	stream.indirect.scatter.add.f32 [tilespmem:s30], [sflag:$0x5], $0x80, s26, s29, $0xb8;
	[tilespmem:$0x1BE00] =	vst v63  }
0x11e: {  	_ =	swait.ge [sflag:s24], $0x4000  }
0x11f: {  	[sflag:s24] =	ssyncset.done $0x0  }
0x120: {  	[sflag:s24] =	ssyncadd.s32 $0xFFFFC000  }
0x121: {  	[tilespmem:s25], [sflag:$0x3] =	stream.linear.gather [hbm4b:s20+s2], $0x80, $0x38;
	[tilespmem:$0x1BE00] =	vst v63  }
0x122: {  	_ = 	snop  }
0x123: {  	[tilespmem:s26], [sflag:$0x3] =	stream.linear.gather [hbm4b:s21+s2], $0x80, $0x38;
	[tilespmem:$0x1BE00] =	vst v63  }
0x124: {  	_ =	swait.ge [sflag:s28], $0x80  }
0x125: {  	[sflag:s28] =	ssyncset.done $0x0  }
0x126: {  	[sflag:s28] =	ssyncadd.s32 $0xFFFFFF80  }
0x127: {  	_ =	swait.ge [sflag:s28], $0x80  }
0x128: {  	[sflag:s28] =	ssyncset.done $0x0  }
0x129: {  	[sflag:s28] =	ssyncadd.s32 $0xFFFFFF80  }
0x12a: {  	[tilespmem:s30], [sflag:$0x1] =	stream.indirect.gather [hbm4b:s4+s29], $0x80, s25, s29, $0xb8;
	[tilespmem:$0x1BE00] =	vst v63  }
0x12b: {  	_ =	swait.ge [sflag:s12], $0x4000  }
0x12c: {  	[sflag:s12] =	ssyncset.done $0x0  }
0x12d: {  	[sflag:s12] =	ssyncadd.s32 $0xFFFFC000  }
0x12e: {  	[spmem:s1] =	stream.indirect.scatter.add.f32 [tilespmem:s8], [sflag:$0x5], $0x80, s0, s29, $0xb8;
	[tilespmem:$0x1BE00] =	vst v63  }
0x12f: {  	_ =	swait.ge [sflag:s24], $0x4000  }
.Ltmp6:
0x130: {  	[sflag:s24] =	ssyncset.done $0x0;
	(pc) =	sbr.rel .LBB2_8-.Ltmp6, $4  }
0x131: {  	[sflag:s24] =	ssyncadd.s32 $0xFFFFC000  }
0x132: {  	[tilespmem:s31], [sflag:$0x4] =	stream.linear.gather [hbm4b:s22+s2], $0x80, $0x38;
	[tilespmem:$0x1BE00] =	vst v63  }
0x133: {  	s16 =	smov.u32 s4;
	s15 =	rddreg [dreg:$0x4]  }
0x134: {  	[tilespmem:s0], [sflag:$0x4] =	stream.linear.gather [hbm4b:s23+s2], $0x80, $0x38;
	[tilespmem:$0x1BE00] =	vst v63  }
.LBB2_9:
0x135: {  	_ =	sfence.sel $0x180000  }
0x136: {  	[bflag:$0x0] =	sbarrier.arrive $0xFFFF  }
0x137: {  	_ =	strace $0x90000047  }
0x138: {  	s0 =	stileid.u32;
	[bflag:$0x2] =	sbarrier.arrive $0xFFFF  }
0x139: {  	p0 =	sne.s32 s0, $0x0;
	s0 =	rddreg [dreg:$0x3]  }
0x13a: {  	s0 =	sadd.s32 @!p0 $0x100000, s0  }
0x13b: {  	[sflag:s0] =	ssyncadd.tile.s32 @!p0 $0x1;
	_ =	shalt  }
.Lfunc_end2:
_tile_overlayer_lowered:
.L_overlay_start_2:
0x13c: {  	(tag) =	ssettag $0x2  }
0x13d: {  	s0 =	rddreg [dreg:$0x0];
	s2 =	stileid.u32  }
0x13e: {  	s1 =	rddreg [dreg:$0x1];
	p0 =	sne.s32 s2, $0x0  }
0x13f: {  	s3 =	rddreg [dreg:$0x2];
	[bflag:$0x3] =	sbarrier.arrive $0xFFFF;
	s2 =	simm.s32 @!p0 $0x1C05  }
0x140: {  	[timem:s3], [sflag:s2] =	dma.local @!p0 [hbm:s0], s1  }
0x141: {  	s0 =	simm.s32 @!p0 $0x5  }
0x142: {  	_ =	swait.ge @!p0 [sflag:s0], s1  }
0x143: {  	s1 =	ssub.s32 @!p0 $0x0, s1;
	[sflag:s0] =	ssyncset.done @!p0 $0x0  }
0x144: {  	[sflag:s0] =	ssyncadd.s32 @!p0 s1  }
0x145: {  	[bflag:$0x3] =	sbarrier.arrive $0xFFFF  }
0x146: {  	_ =	shalt  }

</sc_bundles>
